<compile_context>
chip_gen: v7x
topology: tpu7x:2x2x1
jax: 0.10.2.dev20260603
libtpu: 0.0.44.dev20260713+nightly
codegen_flags: <defaults>
</compile_context>

<pallas_src>
import functools

import jax
import jax.numpy as jnp
from jax import lax
from jax.experimental import pallas as pl
from jax.experimental.pallas import tpu as pltpu
from jax.experimental.pallas import tpu_sc as plsc

N = 1 << 20
N_ACTIONS = 4
NC = 2
NS = 16
L = 16
SEG = N // N_ACTIONS
SC_PART = SEG // 2
W_PER_SEG = (NC * NS) // N_ACTIONS
CHUNK = SC_PART // W_PER_SEG
NBUF = 4
SUB = CHUNK // NBUF
ACCS = 8
STEPS = SUB // (ACCS * L)


def _policy_body(probs_hbm, out_hbm, chunk_v, acc_v, part_v, partials_hbm,
                 *sems):
    c = lax.axis_index("c")
    sid = lax.axis_index("s")
    seg = c * (N_ACTIONS // NC) + sid // W_PER_SEG
    base = seg * SEG + (sid % W_PER_SEG) * CHUNK

    copies = [
        pltpu.async_copy(
            probs_hbm.at[pl.ds(base + b * SUB, SUB)], chunk_v.at[b], sems[b]
        )
        for b in range(NBUF)
    ]

    zero = jnp.zeros((L,), jnp.float32)
    accs = (zero,) * ACCS
    for b in range(NBUF):
        copies[b].wait()

        def body(i, accs, b=b):
            off = i * (ACCS * L)
            return tuple(
                a + chunk_v[b, pl.ds(off + k * L, L)]
                for k, a in enumerate(accs)
            )

        accs = lax.fori_loop(0, STEPS, body, accs)
    acc = accs[0]
    for a in accs[1:]:
        acc = acc + a
    acc_v[...] = acc
    pltpu.sync_copy(acc_v, partials_hbm.at[c, sid])
    plsc.subcore_barrier()

    @pl.when(sid % W_PER_SEG == 0)
    def _():
        pltpu.sync_copy(partials_hbm.at[c, pl.ds(sid, W_PER_SEG)], part_v)
        tot = part_v[0]
        for k in range(1, W_PER_SEG):
            tot = tot + part_v[k]
        total = tot[0]
        for k in range(1, L):
            total = total + tot[k]
        lane = lax.iota(jnp.int32, L)
        acc_v[...] = jnp.where(lane == 0, total, jnp.float32(0.0))
        pltpu.sync_copy(acc_v, out_hbm.at[seg])


_policy_sc = functools.partial(
    pl.kernel,
    out_type=jax.ShapeDtypeStruct((N_ACTIONS, L), jnp.float32),
    mesh=plsc.VectorSubcoreMesh(
        core_axis_name="c", subcore_axis_name="s", num_cores=NC, num_subcores=NS
    ),
    scratch_types=[
        pltpu.VMEM((NBUF, SUB), jnp.float32),
        pltpu.VMEM((L,), jnp.float32),
        pltpu.VMEM((W_PER_SEG, L), jnp.float32),
        pltpu.HBM((NC, NS, L), jnp.float32),
    ] + [pltpu.SemaphoreType.DMA] * NBUF,
)(_policy_body)


TC_BLKS = 1
TC_SL = (SEG // 2) // 128


def _tc_body(x_ref, out_ref):
    i = pl.program_id(0)
    seg = i // TC_BLKS
    part = jnp.sum(x_ref[0], axis=0, keepdims=True)

    @pl.when(i % TC_BLKS == 0)
    def _():
        out_ref[pl.ds(seg, 1), :] = part

    @pl.when(i % TC_BLKS != 0)
    def _():
        out_ref[pl.ds(seg, 1), :] = out_ref[pl.ds(seg, 1), :] + part


_tc_rest = pl.pallas_call(
    _tc_body,
    grid=(N_ACTIONS * TC_BLKS,),
    in_specs=[
        pl.BlockSpec(
            (1, TC_SL, 128),
            lambda i: (2 * i + 1, 0, 0),
        )
    ],
    out_specs=pl.BlockSpec((8, 128), lambda i: (0, 0)),
    out_shape=jax.ShapeDtypeStruct((8, 128), jnp.float32),
)


def kernel(probs):
    flat = probs.reshape(-1)
    sc16 = _policy_sc(flat)
    tc8 = _tc_rest(flat.reshape(2 * N_ACTIONS, TC_SL, 128))
    return sc16[:, 0] + jnp.sum(tc8[:N_ACTIONS], axis=1)

# --- scband reference (transcript-rebuilt; emitter-appended) ---
"""Pipeline reference for scband-policy-type-79963701117705 (READ-ONLY COPY).

The authoritative reference and input builder live on the scoring server;
editing this copy changes nothing except your own understanding.
"""

import jax, jax.numpy as jnp
import numpy as np

N_QUBITS = 20
N_ACTIONS = 4


def _segment_ids(n, n_actions):
    # Replicates raw_contiguous chunking: chunk_size = n // n_actions,
    # first `remainder` chunks get one extra element.
    chunk = n // n_actions
    rem = n % n_actions
    sizes = np.full(n_actions, chunk, dtype=np.int64)
    sizes[:rem] += 1
    return jnp.asarray(np.repeat(np.arange(n_actions, dtype=np.int64), sizes))


def setup_inputs(seed: int = 0) -> dict:
    key = jax.random.key(seed)
    probs = jax.random.uniform(key, (2 ** N_QUBITS,), dtype=jnp.float32)
    probs = probs / jnp.sum(probs)  # make it a valid probability distribution
    return {"probs": probs}


def reference(probs):
    # PolicyType.input with post_processing='raw_contiguous':
    # flatten, split into n_actions contiguous chunks (first `remainder`
    # chunks one element longer), sum each chunk, stack into policy vector.
    flat = probs.reshape(-1)
    n = flat.shape[0]
    seg_ids = _segment_ids(n, N_ACTIONS)
    policy = jax.ops.segment_sum(flat, seg_ids, num_segments=N_ACTIONS)
    return policy

if __name__ == "__main__":
    import jax
    _d = setup_inputs()
    print(jax.jit(kernel)(*tuple(_d.values())))

</pallas_src>

<mosaic_0001>
#map = affine_map<(d0, d1) -> (0)>
#map1 = affine_map<(d0, d1) -> (0, 0)>
module attributes {stable_mosaic.version = 14 : i64} {
  func.func @_policy_body(%arg0: i32, %arg1: i32, %arg2: memref<1048576xf32, #tpu.memory_space<hbm>>, %arg3: memref<4x16xf32, #tpu.memory_space<hbm>>, %arg4: memref<4x4096xf32, #tpu.memory_space<vmem>>, %arg5: memref<16xf32, #tpu.memory_space<vmem>>, %arg6: memref<8x16xf32, #tpu.memory_space<vmem>>, %arg7: memref<2x16x16xf32, #tpu.memory_space<hbm>>, %arg8: memref<!tpu.dma_semaphore, #tpu.memory_space<semaphore_mem>>, %arg9: memref<!tpu.dma_semaphore, #tpu.memory_space<semaphore_mem>>, %arg10: memref<!tpu.dma_semaphore, #tpu.memory_space<semaphore_mem>>, %arg11: memref<!tpu.dma_semaphore, #tpu.memory_space<semaphore_mem>>) attributes {dimension_semantics = [#tpu.dimension_semantics<core_parallel>, #tpu.dimension_semantics<subcore_parallel>], iteration_bounds = array<i64: 2, 16>, scalar_prefetch = 0 : i64, scratch_operands = 8 : i64, tpu.core_type = #tpu.core_type<sc_vector_subcore>, window_params = [{transform_indices = #map}, {transform_indices = #map1}]} {
    %mul3A = arith.constant 2 : i32
    %mul3A_0 = arith.muli %arg0, %mul3A : i32
    %jit3A = arith.constant 8 : i32
    %div3A = arith.divsi %arg1, %jit3A : i32
    %sign3A = arith.constant 0 : i32
    %sign3A_1 = arith.cmpi sgt, %arg1, %sign3A : i32
    %sign3A_2 = arith.extui %sign3A_1 : i1 to i32
    %sign3A_3 = arith.constant 0 : i32
    %sign3A_4 = arith.cmpi slt, %arg1, %sign3A_3 : i32
    %sign3A_5 = arith.extui %sign3A_4 : i1 to i32
    %sign3A_6 = arith.subi %sign3A_2, %sign3A_5 : i32
    %sign3A_7 = arith.constant 0 : i32
    %sign3A_8 = arith.cmpi sgt, %jit3A, %sign3A_7 : i32
    %sign3A_9 = arith.extui %sign3A_8 : i1 to i32
    %sign3A_10 = arith.constant 0 : i32
    %sign3A_11 = arith.cmpi slt, %jit3A, %sign3A_10 : i32
    %sign3A_12 = arith.extui %sign3A_11 : i1 to i32
    %sign3A_13 = arith.subi %sign3A_9, %sign3A_12 : i32
    %ne3A = arith.cmpi ne, %sign3A_6, %sign3A_13 : i32
    %rem3A = arith.remsi %arg1, %jit3A : i32
    %ne3A_14 = arith.constant 0 : i32
    %ne3A_15 = arith.cmpi ne, %rem3A, %ne3A_14 : i32
    %and3A = arith.andi %ne3A, %ne3A_15 : i1
    %sub3A = arith.constant 1 : i32
    %sub3A_16 = arith.subi %div3A, %sub3A : i32
    %select_n3A = arith.select %and3A, %sub3A_16, %div3A : i32
    %add3A = arith.addi %mul3A_0, %select_n3A : i32
    %mul3A_17 = arith.constant 262144 : i32
    %mul3A_18 = arith.muli %add3A, %mul3A_17 : i32
    %jit3A_19 = arith.constant 8 : i32
    %eq3A = arith.constant 0 : i32
    %eq3A_20 = arith.cmpi eq, %jit3A_19, %eq3A : i32
    %jit3A_21 = arith.constant 1 : i32
    %select_n3A_22 = arith.select %eq3A_20, %jit3A_21, %jit3A_19 : i32
    %rem3A_23 = arith.remsi %arg1, %select_n3A_22 : i32
    %ne3A_24 = arith.constant 0 : i32
    %ne3A_25 = arith.cmpi ne, %rem3A_23, %ne3A_24 : i32
    %lt3A = arith.constant 0 : i32
    %lt3A_26 = arith.cmpi slt, %rem3A_23, %lt3A : i32
    %lt3A_27 = arith.constant 0 : i32
    %lt3A_28 = arith.cmpi slt, %select_n3A_22, %lt3A_27 : i32
    %ne3A_29 = arith.xori %lt3A_26, %lt3A_28 : i1
    %and3A_30 = arith.andi %ne3A_29, %ne3A_25 : i1
    %add3A_31 = arith.addi %rem3A_23, %select_n3A_22 : i32
    %select_n3A_32 = arith.select %and3A_30, %add3A_31, %rem3A_23 : i32
    %mul3A_33 = arith.constant 16384 : i32
    %mul3A_34 = arith.muli %select_n3A_32, %mul3A_33 : i32
    %add3A_35 = arith.addi %mul3A_18, %mul3A_34 : i32
    %add3A_36 = arith.constant 0 : i32
    %add3A_37 = arith.addi %add3A_35, %add3A_36 : i32
    %dma_start3A = arith.constant 0 : i32
    %dma_start3A_38 = arith.constant 0 : i32
    %dma_start3A_39 = tpu.memref_slice %arg4[%dma_start3A, %dma_start3A_38] : memref<4x4096xf32, #tpu.memory_space<vmem>> -> memref<1x4096xf32, #tpu.memory_space<vmem>>
    %dma_start3A_40 = tpu.memref_squeeze %dma_start3A_39 : memref<1x4096xf32, #tpu.memory_space<vmem>> -> memref<4096xf32, #tpu.memory_space<vmem>>
    %dma_start3A_41 = tpu.memref_slice %arg2[%add3A_37] : memref<1048576xf32, #tpu.memory_space<hbm>> -> memref<4096xf32, #tpu.memory_space<hbm>>
    %dma_start3A_42 = arith.constant 0 : i32
    %dma_start3A_43 = tpu.memref_slice %arg4[%dma_start3A, %dma_start3A_42] : memref<4x4096xf32, #tpu.memory_space<vmem>> -> memref<1x4096xf32, #tpu.memory_space<vmem>>
    %dma_start3A_44 = tpu.memref_squeeze %dma_start3A_43 : memref<1x4096xf32, #tpu.memory_space<vmem>> -> memref<4096xf32, #tpu.memory_space<vmem>>
    %dma_start3A_45 = tpu.memref_slice %arg2[%add3A_37] : memref<1048576xf32, #tpu.memory_space<hbm>> -> memref<4096xf32, #tpu.memory_space<hbm>>
    tpu.enqueue_dma source(%dma_start3A_45 : memref<4096xf32, #tpu.memory_space<hbm>>) target(%dma_start3A_44 : memref<4096xf32, #tpu.memory_space<vmem>>) target_semaphore(%arg8 : memref<!tpu.dma_semaphore, #tpu.memory_space<semaphore_mem>>)
    %add3A_46 = arith.constant 4096 : i32
    %add3A_47 = arith.addi %add3A_35, %add3A_46 : i32
    %dma_start3A_48 = arith.constant 1 : i32
    %dma_start3A_49 = arith.constant 0 : i32
    %dma_start3A_50 = tpu.memref_slice %arg4[%dma_start3A_48, %dma_start3A_49] : memref<4x4096xf32, #tpu.memory_space<vmem>> -> memref<1x4096xf32, #tpu.memory_space<vmem>>
    %dma_start3A_51 = tpu.memref_squeeze %dma_start3A_50 : memref<1x4096xf32, #tpu.memory_space<vmem>> -> memref<4096xf32, #tpu.memory_space<vmem>>
    %dma_start3A_52 = tpu.memref_slice %arg2[%add3A_47] : memref<1048576xf32, #tpu.memory_space<hbm>> -> memref<4096xf32, #tpu.memory_space<hbm>>
    %dma_start3A_53 = arith.constant 0 : i32
    %dma_start3A_54 = tpu.memref_slice %arg4[%dma_start3A_48, %dma_start3A_53] : memref<4x4096xf32, #tpu.memory_space<vmem>> -> memref<1x4096xf32, #tpu.memory_space<vmem>>
    %dma_start3A_55 = tpu.memref_squeeze %dma_start3A_54 : memref<1x4096xf32, #tpu.memory_space<vmem>> -> memref<4096xf32, #tpu.memory_space<vmem>>
    %dma_start3A_56 = tpu.memref_slice %arg2[%add3A_47] : memref<1048576xf32, #tpu.memory_space<hbm>> -> memref<4096xf32, #tpu.memory_space<hbm>>
    tpu.enqueue_dma source(%dma_start3A_56 : memref<4096xf32, #tpu.memory_space<hbm>>) target(%dma_start3A_55 : memref<4096xf32, #tpu.memory_space<vmem>>) target_semaphore(%arg9 : memref<!tpu.dma_semaphore, #tpu.memory_space<semaphore_mem>>)
    %add3A_57 = arith.constant 8192 : i32
    %add3A_58 = arith.addi %add3A_35, %add3A_57 : i32
    %dma_start3A_59 = arith.constant 2 : i32
    %dma_start3A_60 = arith.constant 0 : i32
    %dma_start3A_61 = tpu.memref_slice %arg4[%dma_start3A_59, %dma_start3A_60] : memref<4x4096xf32, #tpu.memory_space<vmem>> -> memref<1x4096xf32, #tpu.memory_space<vmem>>
    %dma_start3A_62 = tpu.memref_squeeze %dma_start3A_61 : memref<1x4096xf32, #tpu.memory_space<vmem>> -> memref<4096xf32, #tpu.memory_space<vmem>>
    %dma_start3A_63 = tpu.memref_slice %arg2[%add3A_58] : memref<1048576xf32, #tpu.memory_space<hbm>> -> memref<4096xf32, #tpu.memory_space<hbm>>
    %dma_start3A_64 = arith.constant 0 : i32
    %dma_start3A_65 = tpu.memref_slice %arg4[%dma_start3A_59, %dma_start3A_64] : memref<4x4096xf32, #tpu.memory_space<vmem>> -> memref<1x4096xf32, #tpu.memory_space<vmem>>
    %dma_start3A_66 = tpu.memref_squeeze %dma_start3A_65 : memref<1x4096xf32, #tpu.memory_space<vmem>> -> memref<4096xf32, #tpu.memory_space<vmem>>
    %dma_start3A_67 = tpu.memref_slice %arg2[%add3A_58] : memref<1048576xf32, #tpu.memory_space<hbm>> -> memref<4096xf32, #tpu.memory_space<hbm>>
    tpu.enqueue_dma source(%dma_start3A_67 : memref<4096xf32, #tpu.memory_space<hbm>>) target(%dma_start3A_66 : memref<4096xf32, #tpu.memory_space<vmem>>) target_semaphore(%arg10 : memref<!tpu.dma_semaphore, #tpu.memory_space<semaphore_mem>>)
    %add3A_68 = arith.constant 12288 : i32
    %add3A_69 = arith.addi %add3A_35, %add3A_68 : i32
    %dma_start3A_70 = arith.constant 3 : i32
    %dma_start3A_71 = arith.constant 0 : i32
    %dma_start3A_72 = tpu.memref_slice %arg4[%dma_start3A_70, %dma_start3A_71] : memref<4x4096xf32, #tpu.memory_space<vmem>> -> memref<1x4096xf32, #tpu.memory_space<vmem>>
    %dma_start3A_73 = tpu.memref_squeeze %dma_start3A_72 : memref<1x4096xf32, #tpu.memory_space<vmem>> -> memref<4096xf32, #tpu.memory_space<vmem>>
    %dma_start3A_74 = tpu.memref_slice %arg2[%add3A_69] : memref<1048576xf32, #tpu.memory_space<hbm>> -> memref<4096xf32, #tpu.memory_space<hbm>>
    %dma_start3A_75 = arith.constant 0 : i32
    %dma_start3A_76 = tpu.memref_slice %arg4[%dma_start3A_70, %dma_start3A_75] : memref<4x4096xf32, #tpu.memory_space<vmem>> -> memref<1x4096xf32, #tpu.memory_space<vmem>>
    %dma_start3A_77 = tpu.memref_squeeze %dma_start3A_76 : memref<1x4096xf32, #tpu.memory_space<vmem>> -> memref<4096xf32, #tpu.memory_space<vmem>>
    %dma_start3A_78 = tpu.memref_slice %arg2[%add3A_69] : memref<1048576xf32, #tpu.memory_space<hbm>> -> memref<4096xf32, #tpu.memory_space<hbm>>
    tpu.enqueue_dma source(%dma_start3A_78 : memref<4096xf32, #tpu.memory_space<hbm>>) target(%dma_start3A_77 : memref<4096xf32, #tpu.memory_space<vmem>>) target_semaphore(%arg11 : memref<!tpu.dma_semaphore, #tpu.memory_space<semaphore_mem>>)
    %broadcast_in_dim3A = arith.constant 0.000000e+00 : f32
    %broadcast_in_dim3A_79 = vector.broadcast %broadcast_in_dim3A : f32 to vector<16xf32>
    %dma_wait3A = arith.constant 0 : i32
    %dma_wait3A_80 = arith.constant 0 : i32
    %dma_wait3A_81 = tpu.memref_slice %arg4[%dma_wait3A, %dma_wait3A_80] : memref<4x4096xf32, #tpu.memory_space<vmem>> -> memref<1x4096xf32, #tpu.memory_space<vmem>>
    %dma_wait3A_82 = tpu.memref_squeeze %dma_wait3A_81 : memref<1x4096xf32, #tpu.memory_space<vmem>> -> memref<4096xf32, #tpu.memory_space<vmem>>
    %dma_wait3A_83 = tpu.memref_slice %arg2[%add3A_37] : memref<1048576xf32, #tpu.memory_space<hbm>> -> memref<4096xf32, #tpu.memory_space<hbm>>
    %dma_wait3A_84 = arith.constant 0 : i32
    %dma_wait3A_85 = tpu.memref_slice %arg4[%dma_wait3A, %dma_wait3A_84] : memref<4x4096xf32, #tpu.memory_space<vmem>> -> memref<1x4096xf32, #tpu.memory_space<vmem>>
    %dma_wait3A_86 = tpu.memref_squeeze %dma_wait3A_85 : memref<1x4096xf32, #tpu.memory_space<vmem>> -> memref<4096xf32, #tpu.memory_space<vmem>>
    %dma_wait3A_87 = tpu.memref_slice %arg2[%add3A_37] : memref<1048576xf32, #tpu.memory_space<hbm>> -> memref<4096xf32, #tpu.memory_space<hbm>>
    tpu.wait_dma2 semaphore(%arg8 : memref<!tpu.dma_semaphore, #tpu.memory_space<semaphore_mem>>) src(%dma_wait3A_87 : memref<4096xf32, #tpu.memory_space<hbm>>) dst(%dma_wait3A_86 : memref<4096xf32, #tpu.memory_space<vmem>>)
    %scan3A = arith.constant 0 : i32
    %scan3A_88 = arith.constant 32 : i32
    %scan3A_89 = arith.addi %scan3A, %scan3A_88 : i32
    %scan3A_90 = arith.constant 1 : i32
    %scan3A_91:8 = scf.for %scan3A_167 = %scan3A to %scan3A_89 step %scan3A_90 iter_args(%scan3A_168 = %broadcast_in_dim3A_79, %scan3A_169 = %broadcast_in_dim3A_79, %scan3A_170 = %broadcast_in_dim3A_79, %scan3A_171 = %broadcast_in_dim3A_79, %scan3A_172 = %broadcast_in_dim3A_79, %scan3A_173 = %broadcast_in_dim3A_79, %scan3A_174 = %broadcast_in_dim3A_79, %scan3A_175 = %broadcast_in_dim3A_79) -> (vector<16xf32>, vector<16xf32>, vector<16xf32>, vector<16xf32>, vector<16xf32>, vector<16xf32>, vector<16xf32>, vector<16xf32>)  : i32 {
      %mul3A_176 = arith.constant 128 : i32
      %mul3A_177 = arith.muli %scan3A_167, %mul3A_176 : i32
      %add3A_178 = arith.constant 0 : i32
      %add3A_179 = arith.addi %mul3A_177, %add3A_178 : i32
      %get3A = arith.constant 0 : i32
      %get3A_180 = arith.index_cast %get3A : i32 to index
      %get3A_181 = arith.index_cast %add3A_179 : i32 to index
      %get3A_182 = tpu.vector_load %arg4[%get3A_180, %get3A_181] {strides = array<i32>} : memref<4x4096xf32, #tpu.memory_space<vmem>>, vector<1x16xf32>,
      %get3A_183 = vector.shape_cast %get3A_182 : vector<1x16xf32> to vector<16xf32>
      %add3A_184 = arith.addf %scan3A_168, %get3A_183 : vector<16xf32>
      %add3A_185 = arith.constant 16 : i32
      %add3A_186 = arith.addi %mul3A_177, %add3A_185 : i32
      %get3A_187 = arith.constant 0 : i32
      %get3A_188 = arith.index_cast %get3A_187 : i32 to index
      %get3A_189 = arith.index_cast %add3A_186 : i32 to index
      %get3A_190 = tpu.vector_load %arg4[%get3A_188, %get3A_189] {strides = array<i32>} : memref<4x4096xf32, #tpu.memory_space<vmem>>, vector<1x16xf32>,
      %get3A_191 = vector.shape_cast %get3A_190 : vector<1x16xf32> to vector<16xf32>
      %add3A_192 = arith.addf %scan3A_169, %get3A_191 : vector<16xf32>
      %add3A_193 = arith.constant 32 : i32
      %add3A_194 = arith.addi %mul3A_177, %add3A_193 : i32
      %get3A_195 = arith.constant 0 : i32
      %get3A_196 = arith.index_cast %get3A_195 : i32 to index
      %get3A_197 = arith.index_cast %add3A_194 : i32 to index
      %get3A_198 = tpu.vector_load %arg4[%get3A_196, %get3A_197] {strides = array<i32>} : memref<4x4096xf32, #tpu.memory_space<vmem>>, vector<1x16xf32>,
      %get3A_199 = vector.shape_cast %get3A_198 : vector<1x16xf32> to vector<16xf32>
      %add3A_200 = arith.addf %scan3A_170, %get3A_199 : vector<16xf32>
      %add3A_201 = arith.constant 48 : i32
      %add3A_202 = arith.addi %mul3A_177, %add3A_201 : i32
      %get3A_203 = arith.constant 0 : i32
      %get3A_204 = arith.index_cast %get3A_203 : i32 to index
      %get3A_205 = arith.index_cast %add3A_202 : i32 to index
      %get3A_206 = tpu.vector_load %arg4[%get3A_204, %get3A_205] {strides = array<i32>} : memref<4x4096xf32, #tpu.memory_space<vmem>>, vector<1x16xf32>,
      %get3A_207 = vector.shape_cast %get3A_206 : vector<1x16xf32> to vector<16xf32>
      %add3A_208 = arith.addf %scan3A_171, %get3A_207 : vector<16xf32>
      %add3A_209 = arith.constant 64 : i32
      %add3A_210 = arith.addi %mul3A_177, %add3A_209 : i32
      %get3A_211 = arith.constant 0 : i32
      %get3A_212 = arith.index_cast %get3A_211 : i32 to index
      %get3A_213 = arith.index_cast %add3A_210 : i32 to index
      %get3A_214 = tpu.vector_load %arg4[%get3A_212, %get3A_213] {strides = array<i32>} : memref<4x4096xf32, #tpu.memory_space<vmem>>, vector<1x16xf32>,
      %get3A_215 = vector.shape_cast %get3A_214 : vector<1x16xf32> to vector<16xf32>
      %add3A_216 = arith.addf %scan3A_172, %get3A_215 : vector<16xf32>
      %add3A_217 = arith.constant 80 : i32
      %add3A_218 = arith.addi %mul3A_177, %add3A_217 : i32
      %get3A_219 = arith.constant 0 : i32
      %get3A_220 = arith.index_cast %get3A_219 : i32 to index
      %get3A_221 = arith.index_cast %add3A_218 : i32 to index
      %get3A_222 = tpu.vector_load %arg4[%get3A_220, %get3A_221] {strides = array<i32>} : memref<4x4096xf32, #tpu.memory_space<vmem>>, vector<1x16xf32>,
      %get3A_223 = vector.shape_cast %get3A_222 : vector<1x16xf32> to vector<16xf32>
      %add3A_224 = arith.addf %scan3A_173, %get3A_223 : vector<16xf32>
      %add3A_225 = arith.constant 96 : i32
      %add3A_226 = arith.addi %mul3A_177, %add3A_225 : i32
      %get3A_227 = arith.constant 0 : i32
      %get3A_228 = arith.index_cast %get3A_227 : i32 to index
      %get3A_229 = arith.index_cast %add3A_226 : i32 to index
      %get3A_230 = tpu.vector_load %arg4[%get3A_228, %get3A_229] {strides = array<i32>} : memref<4x4096xf32, #tpu.memory_space<vmem>>, vector<1x16xf32>,
      %get3A_231 = vector.shape_cast %get3A_230 : vector<1x16xf32> to vector<16xf32>
      %add3A_232 = arith.addf %scan3A_174, %get3A_231 : vector<16xf32>
      %add3A_233 = arith.constant 112 : i32
      %add3A_234 = arith.addi %mul3A_177, %add3A_233 : i32
      %get3A_235 = arith.constant 0 : i32
      %get3A_236 = arith.index_cast %get3A_235 : i32 to index
      %get3A_237 = arith.index_cast %add3A_234 : i32 to index
      %get3A_238 = tpu.vector_load %arg4[%get3A_236, %get3A_237] {strides = array<i32>} : memref<4x4096xf32, #tpu.memory_space<vmem>>, vector<1x16xf32>,
      %get3A_239 = vector.shape_cast %get3A_238 : vector<1x16xf32> to vector<16xf32>
      %add3A_240 = arith.addf %scan3A_175, %get3A_239 : vector<16xf32>
      scf.yield %add3A_184, %add3A_192, %add3A_200, %add3A_208, %add3A_216, %add3A_224, %add3A_232, %add3A_240 : vector<16xf32>, vector<16xf32>, vector<16xf32>, vector<16xf32>, vector<16xf32>, vector<16xf32>, vector<16xf32>, vector<16xf32>
    }
    %scan3A_92 = arith.constant 32 : i32
    %dma_wait3A_93 = arith.constant 1 : i32
    %dma_wait3A_94 = arith.constant 0 : i32
    %dma_wait3A_95 = tpu.memref_slice %arg4[%dma_wait3A_93, %dma_wait3A_94] : memref<4x4096xf32, #tpu.memory_space<vmem>> -> memref<1x4096xf32, #tpu.memory_space<vmem>>
    %dma_wait3A_96 = tpu.memref_squeeze %dma_wait3A_95 : memref<1x4096xf32, #tpu.memory_space<vmem>> -> memref<4096xf32, #tpu.memory_space<vmem>>
    %dma_wait3A_97 = tpu.memref_slice %arg2[%add3A_47] : memref<1048576xf32, #tpu.memory_space<hbm>> -> memref<4096xf32, #tpu.memory_space<hbm>>
    %dma_wait3A_98 = arith.constant 0 : i32
    %dma_wait3A_99 = tpu.memref_slice %arg4[%dma_wait3A_93, %dma_wait3A_98] : memref<4x4096xf32, #tpu.memory_space<vmem>> -> memref<1x4096xf32, #tpu.memory_space<vmem>>
    %dma_wait3A_100 = tpu.memref_squeeze %dma_wait3A_99 : memref<1x4096xf32, #tpu.memory_space<vmem>> -> memref<4096xf32, #tpu.memory_space<vmem>>
    %dma_wait3A_101 = tpu.memref_slice %arg2[%add3A_47] : memref<1048576xf32, #tpu.memory_space<hbm>> -> memref<4096xf32, #tpu.memory_space<hbm>>
    tpu.wait_dma2 semaphore(%arg9 : memref<!tpu.dma_semaphore, #tpu.memory_space<semaphore_mem>>) src(%dma_wait3A_101 : memref<4096xf32, #tpu.memory_space<hbm>>) dst(%dma_wait3A_100 : memref<4096xf32, #tpu.memory_space<vmem>>)
    %scan3A_102 = arith.constant 0 : i32
    %scan3A_103 = arith.constant 32 : i32
    %scan3A_104 = arith.addi %scan3A_102, %scan3A_103 : i32
    %scan3A_105 = arith.constant 1 : i32
    %scan3A_106:8 = scf.for %scan3A_167 = %scan3A_102 to %scan3A_104 step %scan3A_105 iter_args(%scan3A_168 = %scan3A_91#0, %scan3A_169 = %scan3A_91#1, %scan3A_170 = %scan3A_91#2, %scan3A_171 = %scan3A_91#3, %scan3A_172 = %scan3A_91#4, %scan3A_173 = %scan3A_91#5, %scan3A_174 = %scan3A_91#6, %scan3A_175 = %scan3A_91#7) -> (vector<16xf32>, vector<16xf32>, vector<16xf32>, vector<16xf32>, vector<16xf32>, vector<16xf32>, vector<16xf32>, vector<16xf32>)  : i32 {
      %mul3A_176 = arith.constant 128 : i32
      %mul3A_177 = arith.muli %scan3A_167, %mul3A_176 : i32
      %add3A_178 = arith.constant 0 : i32
      %add3A_179 = arith.addi %mul3A_177, %add3A_178 : i32
      %get3A = arith.constant 1 : i32
      %get3A_180 = arith.index_cast %get3A : i32 to index
      %get3A_181 = arith.index_cast %add3A_179 : i32 to index
      %get3A_182 = tpu.vector_load %arg4[%get3A_180, %get3A_181] {strides = array<i32>} : memref<4x4096xf32, #tpu.memory_space<vmem>>, vector<1x16xf32>,
      %get3A_183 = vector.shape_cast %get3A_182 : vector<1x16xf32> to vector<16xf32>
      %add3A_184 = arith.addf %scan3A_168, %get3A_183 : vector<16xf32>
      %add3A_185 = arith.constant 16 : i32
      %add3A_186 = arith.addi %mul3A_177, %add3A_185 : i32
      %get3A_187 = arith.constant 1 : i32
      %get3A_188 = arith.index_cast %get3A_187 : i32 to index
      %get3A_189 = arith.index_cast %add3A_186 : i32 to index
      %get3A_190 = tpu.vector_load %arg4[%get3A_188, %get3A_189] {strides = array<i32>} : memref<4x4096xf32, #tpu.memory_space<vmem>>, vector<1x16xf32>,
      %get3A_191 = vector.shape_cast %get3A_190 : vector<1x16xf32> to vector<16xf32>
      %add3A_192 = arith.addf %scan3A_169, %get3A_191 : vector<16xf32>
      %add3A_193 = arith.constant 32 : i32
      %add3A_194 = arith.addi %mul3A_177, %add3A_193 : i32
      %get3A_195 = arith.constant 1 : i32
      %get3A_196 = arith.index_cast %get3A_195 : i32 to index
      %get3A_197 = arith.index_cast %add3A_194 : i32 to index
      %get3A_198 = tpu.vector_load %arg4[%get3A_196, %get3A_197] {strides = array<i32>} : memref<4x4096xf32, #tpu.memory_space<vmem>>, vector<1x16xf32>,
      %get3A_199 = vector.shape_cast %get3A_198 : vector<1x16xf32> to vector<16xf32>
      %add3A_200 = arith.addf %scan3A_170, %get3A_199 : vector<16xf32>
      %add3A_201 = arith.constant 48 : i32
      %add3A_202 = arith.addi %mul3A_177, %add3A_201 : i32
      %get3A_203 = arith.constant 1 : i32
      %get3A_204 = arith.index_cast %get3A_203 : i32 to index
      %get3A_205 = arith.index_cast %add3A_202 : i32 to index
      %get3A_206 = tpu.vector_load %arg4[%get3A_204, %get3A_205] {strides = array<i32>} : memref<4x4096xf32, #tpu.memory_space<vmem>>, vector<1x16xf32>,
      %get3A_207 = vector.shape_cast %get3A_206 : vector<1x16xf32> to vector<16xf32>
      %add3A_208 = arith.addf %scan3A_171, %get3A_207 : vector<16xf32>
      %add3A_209 = arith.constant 64 : i32
      %add3A_210 = arith.addi %mul3A_177, %add3A_209 : i32
      %get3A_211 = arith.constant 1 : i32
      %get3A_212 = arith.index_cast %get3A_211 : i32 to index
      %get3A_213 = arith.index_cast %add3A_210 : i32 to index
      %get3A_214 = tpu.vector_load %arg4[%get3A_212, %get3A_213] {strides = array<i32>} : memref<4x4096xf32, #tpu.memory_space<vmem>>, vector<1x16xf32>,
      %get3A_215 = vector.shape_cast %get3A_214 : vector<1x16xf32> to vector<16xf32>
      %add3A_216 = arith.addf %scan3A_172, %get3A_215 : vector<16xf32>
      %add3A_217 = arith.constant 80 : i32
      %add3A_218 = arith.addi %mul3A_177, %add3A_217 : i32
      %get3A_219 = arith.constant 1 : i32
      %get3A_220 = arith.index_cast %get3A_219 : i32 to index
      %get3A_221 = arith.index_cast %add3A_218 : i32 to index
      %get3A_222 = tpu.vector_load %arg4[%get3A_220, %get3A_221] {strides = array<i32>} : memref<4x4096xf32, #tpu.memory_space<vmem>>, vector<1x16xf32>,
      %get3A_223 = vector.shape_cast %get3A_222 : vector<1x16xf32> to vector<16xf32>
      %add3A_224 = arith.addf %scan3A_173, %get3A_223 : vector<16xf32>
      %add3A_225 = arith.constant 96 : i32
      %add3A_226 = arith.addi %mul3A_177, %add3A_225 : i32
      %get3A_227 = arith.constant 1 : i32
      %get3A_228 = arith.index_cast %get3A_227 : i32 to index
      %get3A_229 = arith.index_cast %add3A_226 : i32 to index
      %get3A_230 = tpu.vector_load %arg4[%get3A_228, %get3A_229] {strides = array<i32>} : memref<4x4096xf32, #tpu.memory_space<vmem>>, vector<1x16xf32>,
      %get3A_231 = vector.shape_cast %get3A_230 : vector<1x16xf32> to vector<16xf32>
      %add3A_232 = arith.addf %scan3A_174, %get3A_231 : vector<16xf32>
      %add3A_233 = arith.constant 112 : i32
      %add3A_234 = arith.addi %mul3A_177, %add3A_233 : i32
      %get3A_235 = arith.constant 1 : i32
      %get3A_236 = arith.index_cast %get3A_235 : i32 to index
      %get3A_237 = arith.index_cast %add3A_234 : i32 to index
      %get3A_238 = tpu.vector_load %arg4[%get3A_236, %get3A_237] {strides = array<i32>} : memref<4x4096xf32, #tpu.memory_space<vmem>>, vector<1x16xf32>,
      %get3A_239 = vector.shape_cast %get3A_238 : vector<1x16xf32> to vector<16xf32>
      %add3A_240 = arith.addf %scan3A_175, %get3A_239 : vector<16xf32>
      scf.yield %add3A_184, %add3A_192, %add3A_200, %add3A_208, %add3A_216, %add3A_224, %add3A_232, %add3A_240 : vector<16xf32>, vector<16xf32>, vector<16xf32>, vector<16xf32>, vector<16xf32>, vector<16xf32>, vector<16xf32>, vector<16xf32>
    }
    %scan3A_107 = arith.constant 32 : i32
    %dma_wait3A_108 = arith.constant 2 : i32
    %dma_wait3A_109 = arith.constant 0 : i32
    %dma_wait3A_110 = tpu.memref_slice %arg4[%dma_wait3A_108, %dma_wait3A_109] : memref<4x4096xf32, #tpu.memory_space<vmem>> -> memref<1x4096xf32, #tpu.memory_space<vmem>>
    %dma_wait3A_111 = tpu.memref_squeeze %dma_wait3A_110 : memref<1x4096xf32, #tpu.memory_space<vmem>> -> memref<4096xf32, #tpu.memory_space<vmem>>
    %dma_wait3A_112 = tpu.memref_slice %arg2[%add3A_58] : memref<1048576xf32, #tpu.memory_space<hbm>> -> memref<4096xf32, #tpu.memory_space<hbm>>
    %dma_wait3A_113 = arith.constant 0 : i32
    %dma_wait3A_114 = tpu.memref_slice %arg4[%dma_wait3A_108, %dma_wait3A_113] : memref<4x4096xf32, #tpu.memory_space<vmem>> -> memref<1x4096xf32, #tpu.memory_space<vmem>>
    %dma_wait3A_115 = tpu.memref_squeeze %dma_wait3A_114 : memref<1x4096xf32, #tpu.memory_space<vmem>> -> memref<4096xf32, #tpu.memory_space<vmem>>
    %dma_wait3A_116 = tpu.memref_slice %arg2[%add3A_58] : memref<1048576xf32, #tpu.memory_space<hbm>> -> memref<4096xf32, #tpu.memory_space<hbm>>
    tpu.wait_dma2 semaphore(%arg10 : memref<!tpu.dma_semaphore, #tpu.memory_space<semaphore_mem>>) src(%dma_wait3A_116 : memref<4096xf32, #tpu.memory_space<hbm>>) dst(%dma_wait3A_115 : memref<4096xf32, #tpu.memory_space<vmem>>)
    %scan3A_117 = arith.constant 0 : i32
    %scan3A_118 = arith.constant 32 : i32
    %scan3A_119 = arith.addi %scan3A_117, %scan3A_118 : i32
    %scan3A_120 = arith.constant 1 : i32
    %scan3A_121:8 = scf.for %scan3A_167 = %scan3A_117 to %scan3A_119 step %scan3A_120 iter_args(%scan3A_168 = %scan3A_106#0, %scan3A_169 = %scan3A_106#1, %scan3A_170 = %scan3A_106#2, %scan3A_171 = %scan3A_106#3, %scan3A_172 = %scan3A_106#4, %scan3A_173 = %scan3A_106#5, %scan3A_174 = %scan3A_106#6, %scan3A_175 = %scan3A_106#7) -> (vector<16xf32>, vector<16xf32>, vector<16xf32>, vector<16xf32>, vector<16xf32>, vector<16xf32>, vector<16xf32>, vector<16xf32>)  : i32 {
      %mul3A_176 = arith.constant 128 : i32
      %mul3A_177 = arith.muli %scan3A_167, %mul3A_176 : i32
      %add3A_178 = arith.constant 0 : i32
      %add3A_179 = arith.addi %mul3A_177, %add3A_178 : i32
      %get3A = arith.constant 2 : i32
      %get3A_180 = arith.index_cast %get3A : i32 to index
      %get3A_181 = arith.index_cast %add3A_179 : i32 to index
      %get3A_182 = tpu.vector_load %arg4[%get3A_180, %get3A_181] {strides = array<i32>} : memref<4x4096xf32, #tpu.memory_space<vmem>>, vector<1x16xf32>,
      %get3A_183 = vector.shape_cast %get3A_182 : vector<1x16xf32> to vector<16xf32>
      %add3A_184 = arith.addf %scan3A_168, %get3A_183 : vector<16xf32>
      %add3A_185 = arith.constant 16 : i32
      %add3A_186 = arith.addi %mul3A_177, %add3A_185 : i32
      %get3A_187 = arith.constant 2 : i32
      %get3A_188 = arith.index_cast %get3A_187 : i32 to index
      %get3A_189 = arith.index_cast %add3A_186 : i32 to index
      %get3A_190 = tpu.vector_load %arg4[%get3A_188, %get3A_189] {strides = array<i32>} : memref<4x4096xf32, #tpu.memory_space<vmem>>, vector<1x16xf32>,
      %get3A_191 = vector.shape_cast %get3A_190 : vector<1x16xf32> to vector<16xf32>
      %add3A_192 = arith.addf %scan3A_169, %get3A_191 : vector<16xf32>
      %add3A_193 = arith.constant 32 : i32
      %add3A_194 = arith.addi %mul3A_177, %add3A_193 : i32
      %get3A_195 = arith.constant 2 : i32
      %get3A_196 = arith.index_cast %get3A_195 : i32 to index
      %get3A_197 = arith.index_cast %add3A_194 : i32 to index
      %get3A_198 = tpu.vector_load %arg4[%get3A_196, %get3A_197] {strides = array<i32>} : memref<4x4096xf32, #tpu.memory_space<vmem>>, vector<1x16xf32>,
      %get3A_199 = vector.shape_cast %get3A_198 : vector<1x16xf32> to vector<16xf32>
      %add3A_200 = arith.addf %scan3A_170, %get3A_199 : vector<16xf32>
      %add3A_201 = arith.constant 48 : i32
      %add3A_202 = arith.addi %mul3A_177, %add3A_201 : i32
      %get3A_203 = arith.constant 2 : i32
      %get3A_204 = arith.index_cast %get3A_203 : i32 to index
      %get3A_205 = arith.index_cast %add3A_202 : i32 to index
      %get3A_206 = tpu.vector_load %arg4[%get3A_204, %get3A_205] {strides = array<i32>} : memref<4x4096xf32, #tpu.memory_space<vmem>>, vector<1x16xf32>,
      %get3A_207 = vector.shape_cast %get3A_206 : vector<1x16xf32> to vector<16xf32>
      %add3A_208 = arith.addf %scan3A_171, %get3A_207 : vector<16xf32>
      %add3A_209 = arith.constant 64 : i32
      %add3A_210 = arith.addi %mul3A_177, %add3A_209 : i32
      %get3A_211 = arith.constant 2 : i32
      %get3A_212 = arith.index_cast %get3A_211 : i32 to index
      %get3A_213 = arith.index_cast %add3A_210 : i32 to index
      %get3A_214 = tpu.vector_load %arg4[%get3A_212, %get3A_213] {strides = array<i32>} : memref<4x4096xf32, #tpu.memory_space<vmem>>, vector<1x16xf32>,
      %get3A_215 = vector.shape_cast %get3A_214 : vector<1x16xf32> to vector<16xf32>
      %add3A_216 = arith.addf %scan3A_172, %get3A_215 : vector<16xf32>
      %add3A_217 = arith.constant 80 : i32
      %add3A_218 = arith.addi %mul3A_177, %add3A_217 : i32
      %get3A_219 = arith.constant 2 : i32
      %get3A_220 = arith.index_cast %get3A_219 : i32 to index
      %get3A_221 = arith.index_cast %add3A_218 : i32 to index
      %get3A_222 = tpu.vector_load %arg4[%get3A_220, %get3A_221] {strides = array<i32>} : memref<4x4096xf32, #tpu.memory_space<vmem>>, vector<1x16xf32>,
      %get3A_223 = vector.shape_cast %get3A_222 : vector<1x16xf32> to vector<16xf32>
      %add3A_224 = arith.addf %scan3A_173, %get3A_223 : vector<16xf32>
      %add3A_225 = arith.constant 96 : i32
      %add3A_226 = arith.addi %mul3A_177, %add3A_225 : i32
      %get3A_227 = arith.constant 2 : i32
      %get3A_228 = arith.index_cast %get3A_227 : i32 to index
      %get3A_229 = arith.index_cast %add3A_226 : i32 to index
      %get3A_230 = tpu.vector_load %arg4[%get3A_228, %get3A_229] {strides = array<i32>} : memref<4x4096xf32, #tpu.memory_space<vmem>>, vector<1x16xf32>,
      %get3A_231 = vector.shape_cast %get3A_230 : vector<1x16xf32> to vector<16xf32>
      %add3A_232 = arith.addf %scan3A_174, %get3A_231 : vector<16xf32>
      %add3A_233 = arith.constant 112 : i32
      %add3A_234 = arith.addi %mul3A_177, %add3A_233 : i32
      %get3A_235 = arith.constant 2 : i32
      %get3A_236 = arith.index_cast %get3A_235 : i32 to index
      %get3A_237 = arith.index_cast %add3A_234 : i32 to index
      %get3A_238 = tpu.vector_load %arg4[%get3A_236, %get3A_237] {strides = array<i32>} : memref<4x4096xf32, #tpu.memory_space<vmem>>, vector<1x16xf32>,
      %get3A_239 = vector.shape_cast %get3A_238 : vector<1x16xf32> to vector<16xf32>
      %add3A_240 = arith.addf %scan3A_175, %get3A_239 : vector<16xf32>
      scf.yield %add3A_184, %add3A_192, %add3A_200, %add3A_208, %add3A_216, %add3A_224, %add3A_232, %add3A_240 : vector<16xf32>, vector<16xf32>, vector<16xf32>, vector<16xf32>, vector<16xf32>, vector<16xf32>, vector<16xf32>, vector<16xf32>
    }
    %scan3A_122 = arith.constant 32 : i32
    %dma_wait3A_123 = arith.constant 3 : i32
    %dma_wait3A_124 = arith.constant 0 : i32
    %dma_wait3A_125 = tpu.memref_slice %arg4[%dma_wait3A_123, %dma_wait3A_124] : memref<4x4096xf32, #tpu.memory_space<vmem>> -> memref<1x4096xf32, #tpu.memory_space<vmem>>
    %dma_wait3A_126 = tpu.memref_squeeze %dma_wait3A_125 : memref<1x4096xf32, #tpu.memory_space<vmem>> -> memref<4096xf32, #tpu.memory_space<vmem>>
    %dma_wait3A_127 = tpu.memref_slice %arg2[%add3A_69] : memref<1048576xf32, #tpu.memory_space<hbm>> -> memref<4096xf32, #tpu.memory_space<hbm>>
    %dma_wait3A_128 = arith.constant 0 : i32
    %dma_wait3A_129 = tpu.memref_slice %arg4[%dma_wait3A_123, %dma_wait3A_128] : memref<4x4096xf32, #tpu.memory_space<vmem>> -> memref<1x4096xf32, #tpu.memory_space<vmem>>
    %dma_wait3A_130 = tpu.memref_squeeze %dma_wait3A_129 : memref<1x4096xf32, #tpu.memory_space<vmem>> -> memref<4096xf32, #tpu.memory_space<vmem>>
    %dma_wait3A_131 = tpu.memref_slice %arg2[%add3A_69] : memref<1048576xf32, #tpu.memory_space<hbm>> -> memref<4096xf32, #tpu.memory_space<hbm>>
    tpu.wait_dma2 semaphore(%arg11 : memref<!tpu.dma_semaphore, #tpu.memory_space<semaphore_mem>>) src(%dma_wait3A_131 : memref<4096xf32, #tpu.memory_space<hbm>>) dst(%dma_wait3A_130 : memref<4096xf32, #tpu.memory_space<vmem>>)
    %scan3A_132 = arith.constant 0 : i32
    %scan3A_133 = arith.constant 32 : i32
    %scan3A_134 = arith.addi %scan3A_132, %scan3A_133 : i32
    %scan3A_135 = arith.constant 1 : i32
    %scan3A_136:8 = scf.for %scan3A_167 = %scan3A_132 to %scan3A_134 step %scan3A_135 iter_args(%scan3A_168 = %scan3A_121#0, %scan3A_169 = %scan3A_121#1, %scan3A_170 = %scan3A_121#2, %scan3A_171 = %scan3A_121#3, %scan3A_172 = %scan3A_121#4, %scan3A_173 = %scan3A_121#5, %scan3A_174 = %scan3A_121#6, %scan3A_175 = %scan3A_121#7) -> (vector<16xf32>, vector<16xf32>, vector<16xf32>, vector<16xf32>, vector<16xf32>, vector<16xf32>, vector<16xf32>, vector<16xf32>)  : i32 {
      %mul3A_176 = arith.constant 128 : i32
      %mul3A_177 = arith.muli %scan3A_167, %mul3A_176 : i32
      %add3A_178 = arith.constant 0 : i32
      %add3A_179 = arith.addi %mul3A_177, %add3A_178 : i32
      %get3A = arith.constant 3 : i32
      %get3A_180 = arith.index_cast %get3A : i32 to index
      %get3A_181 = arith.index_cast %add3A_179 : i32 to index
      %get3A_182 = tpu.vector_load %arg4[%get3A_180, %get3A_181] {strides = array<i32>} : memref<4x4096xf32, #tpu.memory_space<vmem>>, vector<1x16xf32>,
      %get3A_183 = vector.shape_cast %get3A_182 : vector<1x16xf32> to vector<16xf32>
      %add3A_184 = arith.addf %scan3A_168, %get3A_183 : vector<16xf32>
      %add3A_185 = arith.constant 16 : i32
      %add3A_186 = arith.addi %mul3A_177, %add3A_185 : i32
      %get3A_187 = arith.constant 3 : i32
      %get3A_188 = arith.index_cast %get3A_187 : i32 to index
      %get3A_189 = arith.index_cast %add3A_186 : i32 to index
      %get3A_190 = tpu.vector_load %arg4[%get3A_188, %get3A_189] {strides = array<i32>} : memref<4x4096xf32, #tpu.memory_space<vmem>>, vector<1x16xf32>,
      %get3A_191 = vector.shape_cast %get3A_190 : vector<1x16xf32> to vector<16xf32>
      %add3A_192 = arith.addf %scan3A_169, %get3A_191 : vector<16xf32>
      %add3A_193 = arith.constant 32 : i32
      %add3A_194 = arith.addi %mul3A_177, %add3A_193 : i32
      %get3A_195 = arith.constant 3 : i32
      %get3A_196 = arith.index_cast %get3A_195 : i32 to index
      %get3A_197 = arith.index_cast %add3A_194 : i32 to index
      %get3A_198 = tpu.vector_load %arg4[%get3A_196, %get3A_197] {strides = array<i32>} : memref<4x4096xf32, #tpu.memory_space<vmem>>, vector<1x16xf32>,
      %get3A_199 = vector.shape_cast %get3A_198 : vector<1x16xf32> to vector<16xf32>
      %add3A_200 = arith.addf %scan3A_170, %get3A_199 : vector<16xf32>
      %add3A_201 = arith.constant 48 : i32
      %add3A_202 = arith.addi %mul3A_177, %add3A_201 : i32
      %get3A_203 = arith.constant 3 : i32
      %get3A_204 = arith.index_cast %get3A_203 : i32 to index
      %get3A_205 = arith.index_cast %add3A_202 : i32 to index
      %get3A_206 = tpu.vector_load %arg4[%get3A_204, %get3A_205] {strides = array<i32>} : memref<4x4096xf32, #tpu.memory_space<vmem>>, vector<1x16xf32>,
      %get3A_207 = vector.shape_cast %get3A_206 : vector<1x16xf32> to vector<16xf32>
      %add3A_208 = arith.addf %scan3A_171, %get3A_207 : vector<16xf32>
      %add3A_209 = arith.constant 64 : i32
      %add3A_210 = arith.addi %mul3A_177, %add3A_209 : i32
      %get3A_211 = arith.constant 3 : i32
      %get3A_212 = arith.index_cast %get3A_211 : i32 to index
      %get3A_213 = arith.index_cast %add3A_210 : i32 to index
      %get3A_214 = tpu.vector_load %arg4[%get3A_212, %get3A_213] {strides = array<i32>} : memref<4x4096xf32, #tpu.memory_space<vmem>>, vector<1x16xf32>,
      %get3A_215 = vector.shape_cast %get3A_214 : vector<1x16xf32> to vector<16xf32>
      %add3A_216 = arith.addf %scan3A_172, %get3A_215 : vector<16xf32>
      %add3A_217 = arith.constant 80 : i32
      %add3A_218 = arith.addi %mul3A_177, %add3A_217 : i32
      %get3A_219 = arith.constant 3 : i32
      %get3A_220 = arith.index_cast %get3A_219 : i32 to index
      %get3A_221 = arith.index_cast %add3A_218 : i32 to index
      %get3A_222 = tpu.vector_load %arg4[%get3A_220, %get3A_221] {strides = array<i32>} : memref<4x4096xf32, #tpu.memory_space<vmem>>, vector<1x16xf32>,
      %get3A_223 = vector.shape_cast %get3A_222 : vector<1x16xf32> to vector<16xf32>
      %add3A_224 = arith.addf %scan3A_173, %get3A_223 : vector<16xf32>
      %add3A_225 = arith.constant 96 : i32
      %add3A_226 = arith.addi %mul3A_177, %add3A_225 : i32
      %get3A_227 = arith.constant 3 : i32
      %get3A_228 = arith.index_cast %get3A_227 : i32 to index
      %get3A_229 = arith.index_cast %add3A_226 : i32 to index
      %get3A_230 = tpu.vector_load %arg4[%get3A_228, %get3A_229] {strides = array<i32>} : memref<4x4096xf32, #tpu.memory_space<vmem>>, vector<1x16xf32>,
      %get3A_231 = vector.shape_cast %get3A_230 : vector<1x16xf32> to vector<16xf32>
      %add3A_232 = arith.addf %scan3A_174, %get3A_231 : vector<16xf32>
      %add3A_233 = arith.constant 112 : i32
      %add3A_234 = arith.addi %mul3A_177, %add3A_233 : i32
      %get3A_235 = arith.constant 3 : i32
      %get3A_236 = arith.index_cast %get3A_235 : i32 to index
      %get3A_237 = arith.index_cast %add3A_234 : i32 to index
      %get3A_238 = tpu.vector_load %arg4[%get3A_236, %get3A_237] {strides = array<i32>} : memref<4x4096xf32, #tpu.memory_space<vmem>>, vector<1x16xf32>,
      %get3A_239 = vector.shape_cast %get3A_238 : vector<1x16xf32> to vector<16xf32>
      %add3A_240 = arith.addf %scan3A_175, %get3A_239 : vector<16xf32>
      scf.yield %add3A_184, %add3A_192, %add3A_200, %add3A_208, %add3A_216, %add3A_224, %add3A_232, %add3A_240 : vector<16xf32>, vector<16xf32>, vector<16xf32>, vector<16xf32>, vector<16xf32>, vector<16xf32>, vector<16xf32>, vector<16xf32>
    }
    %scan3A_137 = arith.constant 32 : i32
    %add3A_138 = arith.addf %scan3A_136#0, %scan3A_136#1 : vector<16xf32>
    %add3A_139 = arith.addf %add3A_138, %scan3A_136#2 : vector<16xf32>
    %add3A_140 = arith.addf %add3A_139, %scan3A_136#3 : vector<16xf32>
    %add3A_141 = arith.addf %add3A_140, %scan3A_136#4 : vector<16xf32>
    %add3A_142 = arith.addf %add3A_141, %scan3A_136#5 : vector<16xf32>
    %add3A_143 = arith.addf %add3A_142, %scan3A_136#6 : vector<16xf32>
    %add3A_144 = arith.addf %add3A_143, %scan3A_136#7 : vector<16xf32>
    %swap3A = arith.constant 0 : index
    %swap3A_145 = tpu.vector_load %arg5[%swap3A] {strides = array<i32>} : memref<16xf32, #tpu.memory_space<vmem>>, vector<16xf32>,
    %swap3A_146 = vector.shape_cast %swap3A_145 : vector<16xf32> to vector<16xf32>
    %swap3A_147 = vector.shape_cast %add3A_144 : vector<16xf32> to vector<16xf32>
    tpu.vector_store %arg5[%swap3A], %swap3A_147 {strides = array<i32>} : memref<16xf32, #tpu.memory_space<vmem>>, vector<16xf32>,
    "tpu.region"() ({
      %run_scoped3A = tpu.sem_alloc : memref<!tpu.dma_semaphore, #tpu.memory_space<semaphore_mem>>
      %dma_start3A_167 = arith.constant 0 : i32
      %dma_start3A_168 = tpu.memref_slice %arg7[%arg0, %arg1, %dma_start3A_167] : memref<2x16x16xf32, #tpu.memory_space<hbm>> -> memref<1x1x16xf32, #tpu.memory_space<hbm>>
      %dma_start3A_169 = tpu.memref_squeeze %dma_start3A_168 : memref<1x1x16xf32, #tpu.memory_space<hbm>> -> memref<16xf32, #tpu.memory_space<hbm>>
      %dma_start3A_170 = arith.constant 0 : i32
      %dma_start3A_171 = tpu.memref_slice %arg7[%arg0, %arg1, %dma_start3A_170] : memref<2x16x16xf32, #tpu.memory_space<hbm>> -> memref<1x1x16xf32, #tpu.memory_space<hbm>>
      %dma_start3A_172 = tpu.memref_squeeze %dma_start3A_171 : memref<1x1x16xf32, #tpu.memory_space<hbm>> -> memref<16xf32, #tpu.memory_space<hbm>>
      tpu.enqueue_dma source(%arg5 : memref<16xf32, #tpu.memory_space<vmem>>) target(%dma_start3A_172 : memref<16xf32, #tpu.memory_space<hbm>>) target_semaphore(%run_scoped3A : memref<!tpu.dma_semaphore, #tpu.memory_space<semaphore_mem>>)
      %dma_wait3A_173 = arith.constant 0 : i32
      %dma_wait3A_174 = tpu.memref_slice %arg7[%arg0, %arg1, %dma_wait3A_173] : memref<2x16x16xf32, #tpu.memory_space<hbm>> -> memref<1x1x16xf32, #tpu.memory_space<hbm>>
      %dma_wait3A_175 = tpu.memref_squeeze %dma_wait3A_174 : memref<1x1x16xf32, #tpu.memory_space<hbm>> -> memref<16xf32, #tpu.memory_space<hbm>>
      %dma_wait3A_176 = arith.constant 0 : i32
      %dma_wait3A_177 = tpu.memref_slice %arg7[%arg0, %arg1, %dma_wait3A_176] : memref<2x16x16xf32, #tpu.memory_space<hbm>> -> memref<1x1x16xf32, #tpu.memory_space<hbm>>
      %dma_wait3A_178 = tpu.memref_squeeze %dma_wait3A_177 : memref<1x1x16xf32, #tpu.memory_space<hbm>> -> memref<16xf32, #tpu.memory_space<hbm>>
      tpu.wait_dma2 semaphore(%run_scoped3A : memref<!tpu.dma_semaphore, #tpu.memory_space<semaphore_mem>>) src(%arg5 : memref<16xf32, #tpu.memory_space<vmem>>) dst(%dma_wait3A_178 : memref<16xf32, #tpu.memory_space<hbm>>)
      tpu.yield
    }) : () -> ()
    %barrier3A = arith.constant 0 : index
    tpu.barrier barrier_id(%barrier3A)
    %jit3A_148 = arith.constant 8 : i32
    %eq3A_149 = arith.constant 0 : i32
    %eq3A_150 = arith.cmpi eq, %jit3A_148, %eq3A_149 : i32
    %jit3A_151 = arith.constant 1 : i32
    %select_n3A_152 = arith.select %eq3A_150, %jit3A_151, %jit3A_148 : i32
    %rem3A_153 = arith.remsi %arg1, %select_n3A_152 : i32
    %ne3A_154 = arith.constant 0 : i32
    %ne3A_155 = arith.cmpi ne, %rem3A_153, %ne3A_154 : i32
    %lt3A_156 = arith.constant 0 : i32
    %lt3A_157 = arith.cmpi slt, %rem3A_153, %lt3A_156 : i32
    %lt3A_158 = arith.constant 0 : i32
    %lt3A_159 = arith.cmpi slt, %select_n3A_152, %lt3A_158 : i32
    %ne3A_160 = arith.xori %lt3A_157, %lt3A_159 : i1
    %and3A_161 = arith.andi %ne3A_160, %ne3A_155 : i1
    %add3A_162 = arith.addi %rem3A_153, %select_n3A_152 : i32
    %select_n3A_163 = arith.select %and3A_161, %add3A_162, %rem3A_153 : i32
    %eq3A_164 = arith.constant 0 : i32
    %eq3A_165 = arith.cmpi eq, %select_n3A_163, %eq3A_164 : i32
    %convert_element_type3A = arith.extui %eq3A_165 : i1 to i32
    %cond3A = arith.constant 0 : i32
    %cond3A_166 = arith.cmpi ne, %convert_element_type3A, %cond3A : i32
    scf.if %cond3A_166 {
      "tpu.region"() ({
        %run_scoped3A = tpu.sem_alloc : memref<!tpu.dma_semaphore, #tpu.memory_space<semaphore_mem>>
        %dma_start3A_269 = arith.constant 0 : i32
        %dma_start3A_270 = tpu.memref_slice %arg7[%arg0, %arg1, %dma_start3A_269] : memref<2x16x16xf32, #tpu.memory_space<hbm>> -> memref<1x8x16xf32, #tpu.memory_space<hbm>>
        %dma_start3A_271 = tpu.memref_squeeze %dma_start3A_270 : memref<1x8x16xf32, #tpu.memory_space<hbm>> -> memref<8x16xf32, #tpu.memory_space<hbm>>
        %dma_start3A_272 = arith.constant 0 : i32
        %dma_start3A_273 = tpu.memref_slice %arg7[%arg0, %arg1, %dma_start3A_272] : memref<2x16x16xf32, #tpu.memory_space<hbm>> -> memref<1x8x16xf32, #tpu.memory_space<hbm>>
        %dma_start3A_274 = tpu.memref_squeeze %dma_start3A_273 : memref<1x8x16xf32, #tpu.memory_space<hbm>> -> memref<8x16xf32, #tpu.memory_space<hbm>>
        tpu.enqueue_dma source(%dma_start3A_274 : memref<8x16xf32, #tpu.memory_space<hbm>>) target(%arg6 : memref<8x16xf32, #tpu.memory_space<vmem>>) target_semaphore(%run_scoped3A : memref<!tpu.dma_semaphore, #tpu.memory_space<semaphore_mem>>)
        %dma_wait3A_275 = arith.constant 0 : i32
        %dma_wait3A_276 = tpu.memref_slice %arg7[%arg0, %arg1, %dma_wait3A_275] : memref<2x16x16xf32, #tpu.memory_space<hbm>> -> memref<1x8x16xf32, #tpu.memory_space<hbm>>
        %dma_wait3A_277 = tpu.memref_squeeze %dma_wait3A_276 : memref<1x8x16xf32, #tpu.memory_space<hbm>> -> memref<8x16xf32, #tpu.memory_space<hbm>>
        %dma_wait3A_278 = arith.constant 0 : i32
        %dma_wait3A_279 = tpu.memref_slice %arg7[%arg0, %arg1, %dma_wait3A_278] : memref<2x16x16xf32, #tpu.memory_space<hbm>> -> memref<1x8x16xf32, #tpu.memory_space<hbm>>
        %dma_wait3A_280 = tpu.memref_squeeze %dma_wait3A_279 : memref<1x8x16xf32, #tpu.memory_space<hbm>> -> memref<8x16xf32, #tpu.memory_space<hbm>>
        tpu.wait_dma2 semaphore(%run_scoped3A : memref<!tpu.dma_semaphore, #tpu.memory_space<semaphore_mem>>) src(%dma_wait3A_280 : memref<8x16xf32, #tpu.memory_space<hbm>>) dst(%arg6 : memref<8x16xf32, #tpu.memory_space<vmem>>)
        tpu.yield
      }) : () -> ()
      %get3A = arith.constant 0 : i32
      %get3A_167 = arith.index_cast %get3A : i32 to index
      %get3A_168 = arith.constant 0 : index
      %get3A_169 = tpu.vector_load %arg6[%get3A_167, %get3A_168] {strides = array<i32>} : memref<8x16xf32, #tpu.memory_space<vmem>>, vector<1x16xf32>,
      %get3A_170 = vector.shape_cast %get3A_169 : vector<1x16xf32> to vector<16xf32>
      %get3A_171 = arith.constant 1 : i32
      %get3A_172 = arith.index_cast %get3A_171 : i32 to index
      %get3A_173 = arith.constant 0 : index
      %get3A_174 = tpu.vector_load %arg6[%get3A_172, %get3A_173] {strides = array<i32>} : memref<8x16xf32, #tpu.memory_space<vmem>>, vector<1x16xf32>,
      %get3A_175 = vector.shape_cast %get3A_174 : vector<1x16xf32> to vector<16xf32>
      %add3A_176 = arith.addf %get3A_170, %get3A_175 : vector<16xf32>
      %get3A_177 = arith.constant 2 : i32
      %get3A_178 = arith.index_cast %get3A_177 : i32 to index
      %get3A_179 = arith.constant 0 : index
      %get3A_180 = tpu.vector_load %arg6[%get3A_178, %get3A_179] {strides = array<i32>} : memref<8x16xf32, #tpu.memory_space<vmem>>, vector<1x16xf32>,
      %get3A_181 = vector.shape_cast %get3A_180 : vector<1x16xf32> to vector<16xf32>
      %add3A_182 = arith.addf %add3A_176, %get3A_181 : vector<16xf32>
      %get3A_183 = arith.constant 3 : i32
      %get3A_184 = arith.index_cast %get3A_183 : i32 to index
      %get3A_185 = arith.constant 0 : index
      %get3A_186 = tpu.vector_load %arg6[%get3A_184, %get3A_185] {strides = array<i32>} : memref<8x16xf32, #tpu.memory_space<vmem>>, vector<1x16xf32>,
      %get3A_187 = vector.shape_cast %get3A_186 : vector<1x16xf32> to vector<16xf32>
      %add3A_188 = arith.addf %add3A_182, %get3A_187 : vector<16xf32>
      %get3A_189 = arith.constant 4 : i32
      %get3A_190 = arith.index_cast %get3A_189 : i32 to index
      %get3A_191 = arith.constant 0 : index
      %get3A_192 = tpu.vector_load %arg6[%get3A_190, %get3A_191] {strides = array<i32>} : memref<8x16xf32, #tpu.memory_space<vmem>>, vector<1x16xf32>,
      %get3A_193 = vector.shape_cast %get3A_192 : vector<1x16xf32> to vector<16xf32>
      %add3A_194 = arith.addf %add3A_188, %get3A_193 : vector<16xf32>
      %get3A_195 = arith.constant 5 : i32
      %get3A_196 = arith.index_cast %get3A_195 : i32 to index
      %get3A_197 = arith.constant 0 : index
      %get3A_198 = tpu.vector_load %arg6[%get3A_196, %get3A_197] {strides = array<i32>} : memref<8x16xf32, #tpu.memory_space<vmem>>, vector<1x16xf32>,
      %get3A_199 = vector.shape_cast %get3A_198 : vector<1x16xf32> to vector<16xf32>
      %add3A_200 = arith.addf %add3A_194, %get3A_199 : vector<16xf32>
      %get3A_201 = arith.constant 6 : i32
      %get3A_202 = arith.index_cast %get3A_201 : i32 to index
      %get3A_203 = arith.constant 0 : index
      %get3A_204 = tpu.vector_load %arg6[%get3A_202, %get3A_203] {strides = array<i32>} : memref<8x16xf32, #tpu.memory_space<vmem>>, vector<1x16xf32>,
      %get3A_205 = vector.shape_cast %get3A_204 : vector<1x16xf32> to vector<16xf32>
      %add3A_206 = arith.addf %add3A_200, %get3A_205 : vector<16xf32>
      %get3A_207 = arith.constant 7 : i32
      %get3A_208 = arith.index_cast %get3A_207 : i32 to index
      %get3A_209 = arith.constant 0 : index
      %get3A_210 = tpu.vector_load %arg6[%get3A_208, %get3A_209] {strides = array<i32>} : memref<8x16xf32, #tpu.memory_space<vmem>>, vector<1x16xf32>,
      %get3A_211 = vector.shape_cast %get3A_210 : vector<1x16xf32> to vector<16xf32>
      %add3A_212 = arith.addf %add3A_206, %get3A_211 : vector<16xf32>
      %slice3A = vector.extract_strided_slice %add3A_212 {offsets = [0], sizes = [1], strides = [1]} : vector<16xf32> to vector<1xf32>
      %squeeze3A = vector.extract %slice3A[0] : f32 from vector<1xf32>
      %slice3A_213 = vector.extract_strided_slice %add3A_212 {offsets = [1], sizes = [1], strides = [1]} : vector<16xf32> to vector<1xf32>
      %squeeze3A_214 = vector.extract %slice3A_213[0] : f32 from vector<1xf32>
      %add3A_215 = arith.addf %squeeze3A, %squeeze3A_214 : f32
      %slice3A_216 = vector.extract_strided_slice %add3A_212 {offsets = [2], sizes = [1], strides = [1]} : vector<16xf32> to vector<1xf32>
      %squeeze3A_217 = vector.extract %slice3A_216[0] : f32 from vector<1xf32>
      %add3A_218 = arith.addf %add3A_215, %squeeze3A_217 : f32
      %slice3A_219 = vector.extract_strided_slice %add3A_212 {offsets = [3], sizes = [1], strides = [1]} : vector<16xf32> to vector<1xf32>
      %squeeze3A_220 = vector.extract %slice3A_219[0] : f32 from vector<1xf32>
      %add3A_221 = arith.addf %add3A_218, %squeeze3A_220 : f32
      %slice3A_222 = vector.extract_strided_slice %add3A_212 {offsets = [4], sizes = [1], strides = [1]} : vector<16xf32> to vector<1xf32>
      %squeeze3A_223 = vector.extract %slice3A_222[0] : f32 from vector<1xf32>
      %add3A_224 = arith.addf %add3A_221, %squeeze3A_223 : f32
      %slice3A_225 = vector.extract_strided_slice %add3A_212 {offsets = [5], sizes = [1], strides = [1]} : vector<16xf32> to vector<1xf32>
      %squeeze3A_226 = vector.extract %slice3A_225[0] : f32 from vector<1xf32>
      %add3A_227 = arith.addf %add3A_224, %squeeze3A_226 : f32
      %slice3A_228 = vector.extract_strided_slice %add3A_212 {offsets = [6], sizes = [1], strides = [1]} : vector<16xf32> to vector<1xf32>
      %squeeze3A_229 = vector.extract %slice3A_228[0] : f32 from vector<1xf32>
      %add3A_230 = arith.addf %add3A_227, %squeeze3A_229 : f32
      %slice3A_231 = vector.extract_strided_slice %add3A_212 {offsets = [7], sizes = [1], strides = [1]} : vector<16xf32> to vector<1xf32>
      %squeeze3A_232 = vector.extract %slice3A_231[0] : f32 from vector<1xf32>
      %add3A_233 = arith.addf %add3A_230, %squeeze3A_232 : f32
      %slice3A_234 = vector.extract_strided_slice %add3A_212 {offsets = [8], sizes = [1], strides = [1]} : vector<16xf32> to vector<1xf32>
      %squeeze3A_235 = vector.extract %slice3A_234[0] : f32 from vector<1xf32>
      %add3A_236 = arith.addf %add3A_233, %squeeze3A_235 : f32
      %slice3A_237 = vector.extract_strided_slice %add3A_212 {offsets = [9], sizes = [1], strides = [1]} : vector<16xf32> to vector<1xf32>
      %squeeze3A_238 = vector.extract %slice3A_237[0] : f32 from vector<1xf32>
      %add3A_239 = arith.addf %add3A_236, %squeeze3A_238 : f32
      %slice3A_240 = vector.extract_strided_slice %add3A_212 {offsets = [10], sizes = [1], strides = [1]} : vector<16xf32> to vector<1xf32>
      %squeeze3A_241 = vector.extract %slice3A_240[0] : f32 from vector<1xf32>
      %add3A_242 = arith.addf %add3A_239, %squeeze3A_241 : f32
      %slice3A_243 = vector.extract_strided_slice %add3A_212 {offsets = [11], sizes = [1], strides = [1]} : vector<16xf32> to vector<1xf32>
      %squeeze3A_244 = vector.extract %slice3A_243[0] : f32 from vector<1xf32>
      %add3A_245 = arith.addf %add3A_242, %squeeze3A_244 : f32
      %slice3A_246 = vector.extract_strided_slice %add3A_212 {offsets = [12], sizes = [1], strides = [1]} : vector<16xf32> to vector<1xf32>
      %squeeze3A_247 = vector.extract %slice3A_246[0] : f32 from vector<1xf32>
      %add3A_248 = arith.addf %add3A_245, %squeeze3A_247 : f32
      %slice3A_249 = vector.extract_strided_slice %add3A_212 {offsets = [13], sizes = [1], strides = [1]} : vector<16xf32> to vector<1xf32>
      %squeeze3A_250 = vector.extract %slice3A_249[0] : f32 from vector<1xf32>
      %add3A_251 = arith.addf %add3A_248, %squeeze3A_250 : f32
      %slice3A_252 = vector.extract_strided_slice %add3A_212 {offsets = [14], sizes = [1], strides = [1]} : vector<16xf32> to vector<1xf32>
      %squeeze3A_253 = vector.extract %slice3A_252[0] : f32 from vector<1xf32>
      %add3A_254 = arith.addf %add3A_251, %squeeze3A_253 : f32
      %slice3A_255 = vector.extract_strided_slice %add3A_212 {offsets = [15], sizes = [1], strides = [1]} : vector<16xf32> to vector<1xf32>
      %squeeze3A_256 = vector.extract %slice3A_255[0] : f32 from vector<1xf32>
      %add3A_257 = arith.addf %add3A_254, %squeeze3A_256 : f32
      %iota3A = tpu.iota {dimensions = array<i32: 0>} : vector<16xi32>
      %eq3A_258 = arith.constant 0 : i32
      %eq3A_259 = vector.broadcast %eq3A_258 : i32 to vector<16xi32>
      %eq3A_260 = arith.cmpi eq, %iota3A, %eq3A_259 : vector<16xi32>
      %jit3A_261 = arith.constant 0.000000e+00 : f32
      %broadcast_in_dim3A_262 = vector.broadcast %add3A_257 : f32 to vector<16xf32>
      %broadcast_in_dim3A_263 = vector.broadcast %jit3A_261 : f32 to vector<16xf32>
      %select_n3A_264 = arith.select %eq3A_260, %broadcast_in_dim3A_262, %broadcast_in_dim3A_263 : vector<16xi1>, vector<16xf32>
      %swap3A_265 = arith.constant 0 : index
      %swap3A_266 = tpu.vector_load %arg5[%swap3A_265] {strides = array<i32>} : memref<16xf32, #tpu.memory_space<vmem>>, vector<16xf32>,
      %swap3A_267 = vector.shape_cast %swap3A_266 : vector<16xf32> to vector<16xf32>
      %swap3A_268 = vector.shape_cast %select_n3A_264 : vector<16xf32> to vector<16xf32>
      tpu.vector_store %arg5[%swap3A_265], %swap3A_268 {strides = array<i32>} : memref<16xf32, #tpu.memory_space<vmem>>, vector<16xf32>,
      "tpu.region"() ({
        %run_scoped3A = tpu.sem_alloc : memref<!tpu.dma_semaphore, #tpu.memory_space<semaphore_mem>>
        %dma_start3A_269 = arith.constant 0 : i32
        %dma_start3A_270 = tpu.memref_slice %arg3[%add3A, %dma_start3A_269] : memref<4x16xf32, #tpu.memory_space<hbm>> -> memref<1x16xf32, #tpu.memory_space<hbm>>
        %dma_start3A_271 = tpu.memref_squeeze %dma_start3A_270 : memref<1x16xf32, #tpu.memory_space<hbm>> -> memref<16xf32, #tpu.memory_space<hbm>>
        %dma_start3A_272 = arith.constant 0 : i32
        %dma_start3A_273 = tpu.memref_slice %arg3[%add3A, %dma_start3A_272] : memref<4x16xf32, #tpu.memory_space<hbm>> -> memref<1x16xf32, #tpu.memory_space<hbm>>
        %dma_start3A_274 = tpu.memref_squeeze %dma_start3A_273 : memref<1x16xf32, #tpu.memory_space<hbm>> -> memref<16xf32, #tpu.memory_space<hbm>>
        tpu.enqueue_dma source(%arg5 : memref<16xf32, #tpu.memory_space<vmem>>) target(%dma_start3A_274 : memref<16xf32, #tpu.memory_space<hbm>>) target_semaphore(%run_scoped3A : memref<!tpu.dma_semaphore, #tpu.memory_space<semaphore_mem>>)
        %dma_wait3A_275 = arith.constant 0 : i32
        %dma_wait3A_276 = tpu.memref_slice %arg3[%add3A, %dma_wait3A_275] : memref<4x16xf32, #tpu.memory_space<hbm>> -> memref<1x16xf32, #tpu.memory_space<hbm>>
        %dma_wait3A_277 = tpu.memref_squeeze %dma_wait3A_276 : memref<1x16xf32, #tpu.memory_space<hbm>> -> memref<16xf32, #tpu.memory_space<hbm>>
        %dma_wait3A_278 = arith.constant 0 : i32
        %dma_wait3A_279 = tpu.memref_slice %arg3[%add3A, %dma_wait3A_278] : memref<4x16xf32, #tpu.memory_space<hbm>> -> memref<1x16xf32, #tpu.memory_space<hbm>>
        %dma_wait3A_280 = tpu.memref_squeeze %dma_wait3A_279 : memref<1x16xf32, #tpu.memory_space<hbm>> -> memref<16xf32, #tpu.memory_space<hbm>>
        tpu.wait_dma2 semaphore(%run_scoped3A : memref<!tpu.dma_semaphore, #tpu.memory_space<semaphore_mem>>) src(%arg5 : memref<16xf32, #tpu.memory_space<vmem>>) dst(%dma_wait3A_280 : memref<16xf32, #tpu.memory_space<hbm>>)
        tpu.yield
      }) : () -> ()
    } else {
    }
    return
  }
}

module attributes {stable_mosaic.version = 14 : i64} {
  func.func @_tc_body(%arg0: i32, %arg1: memref<1x1024x128xf32, #tpu.memory_space<vmem>>, %arg2: memref<8x128xf32, #tpu.memory_space<vmem>>) attributes {dimension_semantics = [#tpu.dimension_semantics<arbitrary>], iteration_bounds = array<i64: 4>, scalar_prefetch = 0 : i64, scratch_operands = 0 : i64, tpu.core_type = #tpu.core_type<tc>, window_params = [{transform_indices = @transform_0, window_bounds = array<i64: 1, 1024, 128>}, {pipeline_mode = #tpu.pipeline_mode<synchronous>, transform_indices = @transform_1, window_bounds = array<i64: 8, 128>}]} {
    %jit3A = arith.constant 1 : i32
    %div3A = arith.divsi %arg0, %jit3A : i32
    %sign3A = arith.constant 0 : i32
    %sign3A_0 = arith.cmpi sgt, %arg0, %sign3A : i32
    %sign3A_1 = arith.extui %sign3A_0 : i1 to i32
    %sign3A_2 = arith.constant 0 : i32
    %sign3A_3 = arith.cmpi slt, %arg0, %sign3A_2 : i32
    %sign3A_4 = arith.extui %sign3A_3 : i1 to i32
    %sign3A_5 = arith.subi %sign3A_1, %sign3A_4 : i32
    %sign3A_6 = arith.constant 0 : i32
    %sign3A_7 = arith.cmpi sgt, %jit3A, %sign3A_6 : i32
    %sign3A_8 = arith.extui %sign3A_7 : i1 to i32
    %sign3A_9 = arith.constant 0 : i32
    %sign3A_10 = arith.cmpi slt, %jit3A, %sign3A_9 : i32
    %sign3A_11 = arith.extui %sign3A_10 : i1 to i32
    %sign3A_12 = arith.subi %sign3A_8, %sign3A_11 : i32
    %ne3A = arith.cmpi ne, %sign3A_5, %sign3A_12 : i32
    %rem3A = arith.remsi %arg0, %jit3A : i32
    %ne3A_13 = arith.constant 0 : i32
    %ne3A_14 = arith.cmpi ne, %rem3A, %ne3A_13 : i32
    %and3A = arith.andi %ne3A, %ne3A_14 : i1
    %sub3A = arith.constant 1 : i32
    %sub3A_15 = arith.subi %div3A, %sub3A : i32
    %select_n3A = arith.select %and3A, %sub3A_15, %div3A : i32
    %get3A = arith.constant 0 : index
    %get3A_16 = arith.constant 0 : index
    %get3A_17 = arith.constant 0 : index
    %get3A_18 = vector.load %arg1[%get3A, %get3A_16, %get3A_17] : memref<1x1024x128xf32, #tpu.memory_space<vmem>>, vector<1x1024x128xf32>
    %get3A_19 = vector.shape_cast %get3A_18 : vector<1x1024x128xf32> to vector<1024x128xf32>
    %reduce_sum3A = arith.constant dense<0.000000e+00> : vector<128xf32>
    %reduce_sum3A_20 = vector.multi_reduction <add>, %get3A_19, %reduce_sum3A [0] : vector<1024x128xf32> to vector<128xf32>
    %broadcast_in_dim3A = vector.shape_cast %reduce_sum3A_20 : vector<128xf32> to vector<1x128xf32>
    %jit3A_21 = arith.constant 1 : i32
    %eq3A = arith.constant 0 : i32
    %eq3A_22 = arith.cmpi eq, %jit3A_21, %eq3A : i32
    %jit3A_23 = arith.constant 1 : i32
    %select_n3A_24 = arith.select %eq3A_22, %jit3A_23, %jit3A_21 : i32
    %rem3A_25 = arith.remsi %arg0, %select_n3A_24 : i32
    %ne3A_26 = arith.constant 0 : i32
    %ne3A_27 = arith.cmpi ne, %rem3A_25, %ne3A_26 : i32
    %lt3A = arith.constant 0 : i32
    %lt3A_28 = arith.cmpi slt, %rem3A_25, %lt3A : i32
    %lt3A_29 = arith.constant 0 : i32
    %lt3A_30 = arith.cmpi slt, %select_n3A_24, %lt3A_29 : i32
    %ne3A_31 = arith.xori %lt3A_28, %lt3A_30 : i1
    %and3A_32 = arith.andi %ne3A_31, %ne3A_27 : i1
    %add3A = arith.addi %rem3A_25, %select_n3A_24 : i32
    %select_n3A_33 = arith.select %and3A_32, %add3A, %rem3A_25 : i32
    %eq3A_34 = arith.constant 0 : i32
    %eq3A_35 = arith.cmpi eq, %select_n3A_33, %eq3A_34 : i32
    %convert_element_type3A = arith.extui %eq3A_35 : i1 to i32
    %cond3A = arith.constant 0 : i32
    %cond3A_36 = arith.cmpi ne, %convert_element_type3A, %cond3A : i32
    scf.if %cond3A_36 {
      %swap3A = arith.index_cast %select_n3A : i32 to index
      %swap3A_58 = arith.constant 0 : index
      %swap3A_59 = vector.load %arg2[%swap3A, %swap3A_58] : memref<8x128xf32, #tpu.memory_space<vmem>>, vector<1x128xf32>
      tpu.vector_store %arg2[%swap3A, %swap3A_58], %broadcast_in_dim3A {strides = array<i32>} : memref<8x128xf32, #tpu.memory_space<vmem>>, vector<1x128xf32>,
    } else {
    }
    %jit3A_37 = arith.constant 1 : i32
    %eq3A_38 = arith.constant 0 : i32
    %eq3A_39 = arith.cmpi eq, %jit3A_37, %eq3A_38 : i32
    %jit3A_40 = arith.constant 1 : i32
    %select_n3A_41 = arith.select %eq3A_39, %jit3A_40, %jit3A_37 : i32
    %rem3A_42 = arith.remsi %arg0, %select_n3A_41 : i32
    %ne3A_43 = arith.constant 0 : i32
    %ne3A_44 = arith.cmpi ne, %rem3A_42, %ne3A_43 : i32
    %lt3A_45 = arith.constant 0 : i32
    %lt3A_46 = arith.cmpi slt, %rem3A_42, %lt3A_45 : i32
    %lt3A_47 = arith.constant 0 : i32
    %lt3A_48 = arith.cmpi slt, %select_n3A_41, %lt3A_47 : i32
    %ne3A_49 = arith.xori %lt3A_46, %lt3A_48 : i1
    %and3A_50 = arith.andi %ne3A_49, %ne3A_44 : i1
    %add3A_51 = arith.addi %rem3A_42, %select_n3A_41 : i32
    %select_n3A_52 = arith.select %and3A_50, %add3A_51, %rem3A_42 : i32
    %ne3A_53 = arith.constant 0 : i32
    %ne3A_54 = arith.cmpi ne, %select_n3A_52, %ne3A_53 : i32
    %convert_element_type3A_55 = arith.extui %ne3A_54 : i1 to i32
    %cond3A_56 = arith.constant 0 : i32
    %cond3A_57 = arith.cmpi ne, %convert_element_type3A_55, %cond3A_56 : i32
    scf.if %cond3A_57 {
      %get3A_58 = arith.index_cast %select_n3A : i32 to index
      %get3A_59 = arith.constant 0 : index
      %get3A_60 = vector.load %arg2[%get3A_58, %get3A_59] : memref<8x128xf32, #tpu.memory_space<vmem>>, vector<1x128xf32>
      %add3A_61 = arith.addf %get3A_60, %broadcast_in_dim3A : vector<1x128xf32>
      %swap3A = arith.index_cast %select_n3A : i32 to index
      %swap3A_62 = arith.constant 0 : index
      %swap3A_63 = vector.load %arg2[%swap3A, %swap3A_62] : memref<8x128xf32, #tpu.memory_space<vmem>>, vector<1x128xf32>
      tpu.vector_store %arg2[%swap3A, %swap3A_62], %add3A_61 {strides = array<i32>} : memref<8x128xf32, #tpu.memory_space<vmem>>, vector<1x128xf32>,
    } else {
    }
    return
  }
  func.func @transform_0(%arg0: i32) -> (i32, i32, i32) {
    %mul3A = arith.constant 2 : i32
    %mul3A_0 = arith.muli %mul3A, %arg0 : i32
    %add3A = arith.constant 1 : i32
    %add3A_1 = arith.addi %mul3A_0, %add3A : i32
    %c0_i32 = arith.constant 0 : i32
    %c0_i32_2 = arith.constant 0 : i32
    %c0_i32_3 = arith.constant 0 : i32
    return %add3A_1, %c0_i32, %c0_i32_2 : i32, i32, i32
  }
  func.func @transform_1(%arg0: i32) -> (i32, i32) {
    %c0_i32 = arith.constant 0 : i32
    %c0_i32_0 = arith.constant 0 : i32
    %c0_i32_1 = arith.constant 0 : i32
    return %c0_i32, %c0_i32_0 : i32, i32
  }
}

</mosaic_0001>

<sc_bundles>
// kernel: kernel.4.cloned.1.call-start
scs
__scs_entry_jumppad:
0x0: {  	(pc) =	sbr.rel $0x88, $3  }
0x1: {  	(tag) =	ssettag $0x0;
	lr =	simm.s32 $0x1  }
0x2: {  	[smem:$0x3FA0] =	sst lr;
	_ =	strace $0xD0000000  }
0x3: {  	_ = 	snop  }
0x4: {  	_ = 	snop  }
0x5: {  	_ = 	snop  }
0x6: {  	_ = 	snop  }
0x7: {  	_ = 	snop  }
__scs_overlays_trampoline_lowered:
0x8: {  	[smem:$0x3FAF] =	sst s0  }
0x9: {  	[smem:$0x3FB0] =	sst s1  }
0xa: {  	[smem:$0x3FB1] =	sst s2  }
0xb: {  	[smem:$0x3FB2] =	sst s3  }
0xc: {  	[smem:$0x3FB3] =	sst s4  }
0xd: {  	[smem:$0x3FB4] =	sst s5  }
0xe: {  	[smem:$0x3FB5] =	sst s6  }
0xf: {  	[smem:$0x3FB6] =	sst s7  }
0x10: {  	[smem:$0x3FB7] =	sst s8  }
0x11: {  	[smem:$0x3FB8] =	sst s9;
	s0 =	simm.s32 @!p0 $0x0  }
0x12: {  	s1 =	sld [smem:$0x3F9E];
	s0 =	simm.s32 @p0 $0x1  }
0x13: {  	[smem:$0x3FB9] =	sst s0;
	s0 =	simm.s32 @!p1 $0x0  }
0x14: {  	s2 =	sld [smem:$0x3F9D];
	s0 =	simm.s32 @p1 $0x1  }
0x15: {  	[smem:$0x3FBA] =	sst s0;
	s0 =	simm.s32 @!p2 $0x0  }
0x16: {  	s3 =	sld [smem:$0x3FDB];
	s0 =	simm.s32 @p2 $0x1  }
0x17: {  	s4 =	simm.s32 $0x1BF5;
	[smem:$0x3FBC] =	sst s0  }
0x18: {  	s0 =	sld [smem:$0x3F9F];
	_ =	swait.ge [sflag:s4], $0x0  }
0x19: {  	s7 =	sld [smem:$0x3FA0]  }
0x1a: {  	s8 =	sadd.s32 $0xFFFFE003, lr  }
0x1b: {  	s9 =	sadd.s32 $0xFFFFFEF7, lr;
	s5 =	simm.s32 $0xFFFFFFFF;
	p2 =	slt.u32 s8, $0xFFFFF086  }
0x1c: {  	p1 =	slt.u32 s9, $0xF7A;
	s5 =	simm.s32 @!p2 $0x0  }
0x1d: {  	s5 =	simm.s32 @p1 $0x1;
	p0 =	seq.s32 s7, s2  }
0x1e: {  	s7 =	smul.u32 @!p0 $0xF7A, s2;
	p2 =	seq.s32 @!p0 s5, $0x0  }
0x1f: {  	s9 =	smul.u32 $0xF7A, s1;
	s8 =	simm.s32 @!p0 $0x1BF5;
	p2 =	por !p2, p0  }
0x20: {  	[sflag:s8] =	ssyncset.s32 @!p0 $0xFFFFF086;
	s6 =	sadd.s32 @!p0 s3, s7;
	s7 =	simm.s32 @!p0 $0x108  }
0x21: {  	s3 =	sadd.s32 s3, s9;
	s6 =	sadd.s32 @!p0 $0x88, s6;
	s7 =	simm.s32 @p2 $0x1082  }
0x22: {  	[simem:s7], [sflag:s8] =	dma.local @!p0 [hbm:s6], $0xF7A  }
0x23: {  	s9 =	sor.u32 $0xD0000000, s2;
	s6 =	simm.s32 $0x108;
	_ =	swait.ge @!p0 [sflag:s8], $0x0  }
0x24: {  	s3 =	sadd.s32 $0x88, s3;
	s6 =	simm.s32 @!p1 $0x1082;
	[sflag:s4] =	ssyncset.s32 $0xFFFFF086  }
0x25: {  	[simem:s6], [sflag:s4] =	dma.local [hbm:s3], $0xF7A  }
0x26: {  	[smem:$0x3FA0] =	sst s1;
	(tag) =	ssettag s2;
	_ =	strace s9  }
0x27: {  	s1 =	sld [smem:$0x3FB0]  }
0x28: {  	s2 =	sld [smem:$0x3FB1]  }
0x29: {  	s4 =	sld [smem:$0x3FB3]  }
0x2a: {  	p0 =	seq.s32 s5, $0x0;
	s5 =	sld [smem:$0x3FB4]  }
0x2b: {  	s6 =	sld [smem:$0x3FB5]  }
0x2c: {  	s7 =	sld [smem:$0x3FB6]  }
0x2d: {  	s3 =	simm.s32 $0x108;
	s8 =	sld [smem:$0x3FB7]  }
0x2e: {  	s3 =	simm.s32 @!p0 $0x1082;
	s9 =	sld [smem:$0x3FB8]  }
0x2f: {  	lr =	sadd.s32 s0, s3;
	s0 =	sld [smem:$0x3FAF]  }
0x30: {  	s3 =	sld [smem:$0x3FB2]  }
0x31: {  	[smem:$0x3FBB] =	sst s10  }
0x32: {  	s10 =	sld [smem:$0x3FB9];
	_ =	sdelay $0x3  }
0x33: {  	p0 =	seq.s32 s10, $0x1;
	s10 =	sld [smem:$0x3FBB];
	_ =	sdelay $0x3  }
0x34: {  	[smem:$0x3FBB] =	sst s10  }
0x35: {  	s10 =	sld [smem:$0x3FBA];
	_ =	sdelay $0x3  }
0x36: {  	p1 =	seq.s32 s10, $0x1;
	s10 =	sld [smem:$0x3FBB];
	_ =	sdelay $0x3  }
0x37: {  	[smem:$0x3FBB] =	sst s10  }
0x38: {  	s10 =	sld [smem:$0x3FBC]  }
0x39: {  	_ = 	snop;
	(pc) =	sbr.ind lr, $3  }
0x3a: {  	_ = 	snop  }
0x3b: {  	_ = 	snop  }
0x3c: {  	p2 =	seq.s32 s10, $0x1;
	s10 =	sld [smem:$0x3FBB]  }
0x3d: {  	_ =	shalt  }
0x3e: {  	_ =	shalt  }
0x3f: {  	_ =	shalt  }
0x40: {  	_ =	shalt  }
0x41: {  	_ =	shalt  }
0x42: {  	_ =	shalt  }
0x43: {  	_ =	shalt  }
0x44: {  	_ =	shalt  }
0x45: {  	_ =	shalt  }
0x46: {  	_ =	shalt  }
0x47: {  	_ =	shalt  }
0x48: {  	_ =	shalt  }
0x49: {  	_ =	shalt  }
0x4a: {  	_ =	shalt  }
0x4b: {  	_ =	shalt  }
0x4c: {  	_ =	shalt  }
0x4d: {  	_ =	shalt  }
0x4e: {  	_ =	shalt  }
0x4f: {  	_ =	shalt  }
0x50: {  	_ =	shalt  }
0x51: {  	_ =	shalt  }
0x52: {  	_ =	shalt  }
0x53: {  	_ =	shalt  }
0x54: {  	_ =	shalt  }
0x55: {  	_ =	shalt  }
0x56: {  	_ =	shalt  }
0x57: {  	_ =	shalt  }
0x58: {  	_ =	shalt  }
0x59: {  	_ =	shalt  }
0x5a: {  	_ =	shalt  }
0x5b: {  	_ =	shalt  }
0x5c: {  	_ =	shalt  }
0x5d: {  	_ =	shalt  }
0x5e: {  	_ =	shalt  }
0x5f: {  	_ =	shalt  }
0x60: {  	_ =	shalt  }
0x61: {  	_ =	shalt  }
0x62: {  	_ =	shalt  }
0x63: {  	_ =	shalt  }
0x64: {  	_ =	shalt  }
0x65: {  	_ =	shalt  }
0x66: {  	_ =	shalt  }
0x67: {  	_ =	shalt  }
0x68: {  	_ =	shalt  }
0x69: {  	_ =	shalt  }
0x6a: {  	_ =	shalt  }
0x6b: {  	_ =	shalt  }
0x6c: {  	_ =	shalt  }
0x6d: {  	_ =	shalt  }
0x6e: {  	_ =	shalt  }
0x6f: {  	_ =	shalt  }
0x70: {  	_ =	shalt  }
0x71: {  	_ =	shalt  }
0x72: {  	_ =	shalt  }
0x73: {  	_ =	shalt  }
0x74: {  	_ =	shalt  }
0x75: {  	_ =	shalt  }
0x76: {  	_ =	shalt  }
0x77: {  	_ =	shalt  }
0x78: {  	_ =	shalt  }
0x79: {  	_ =	shalt  }
0x7a: {  	_ =	shalt  }
0x7b: {  	_ =	shalt  }
0x7c: {  	_ =	shalt  }
0x7d: {  	_ =	shalt  }
0x7e: {  	_ =	shalt  }
0x7f: {  	_ =	shalt  }
0x80: {  	_ =	shalt  }
0x81: {  	_ =	shalt  }
0x82: {  	_ =	shalt  }
0x83: {  	_ =	shalt  }
0x84: {  	_ =	shalt  }
0x85: {  	_ =	shalt  }
0x86: {  	_ =	shalt  }
0x87: {  	_ =	shalt  }
.Lfunc_end0:
.L_simem_size_0:
called_computation_lowered:
.L_overlay_start_0:
0x88: {  	s2 =	sld [smem:$0x3FD9]  }
0x89: {  	s3 =	sld [smem:$0x3FFE];
	_ =	sdelay $0x1  }
0x8a: {  	s1 =	srdreg.scid  }
0x8b: {  	s0 =	sand.u32 $0x1, s1  }
0x8c: {  	s18 =	sshll.u32 s0, $0xA;
	s2 =	sadd.s32 s3, s2  }
0x8d: {  	s3 =	sadd.s32 s2, s18  }
0x8e: {  	[smem:$0x3FC7] =	sst s3  }
0x8f: {  	_ = 	snop  }
0x90: {  	s3 =	sld [smem:$0x3FC9];
	(tm) =	ssettm $0x1  }
0x91: {  	s4 =	sld [smem:$0x3FFB];
	_ =	sdelay $0x3  }
0x92: {  	_ =	strace s4  }
0x93: {  	s4 =	sld [smem:$0x3FFC];
	_ =	sdelay $0x3  }
0x94: {  	_ =	strace s4  }
0x95: {  	s4 =	sld [smem:$0x3FFD];
	_ =	sdelay $0x3  }
0x96: {  	_ =	strace s4  }
0x97: {  	_ =	strace $0x8FFFFFFF  }
0x98: {  	s19 =	sld [smem:$0x3FDB];
	_ =	sdelay $0x1  }
0x99: {  	s5 =	simm.s32 $_scs_section_size  }
0x9a: {  	s6 =	simm.s32 $_size__tile_overlayer_lowered;
	s7 =	simm.s32 $_tile_overlayer_lowered  }
0x9b: {  	s22 =	simm.s32 $0x1BFF;
	s21 =	sshll.u32 s7, $0x1;
	s4 =	sadd.s32 s5, s19  }
0x9c: {  	s8 =	simm.s32 $0x0;
	s20 =	sshll.u32 s6, $0x1;
	s6 =	sadd.s32 s21, s4  }
0x9d: {  	[timem:s8], [sflag:s22] =	dma.local [hbm:s6], s20  }
0x9e: {  	_ =	swait.ge [sflag:s22], s20  }
0x9f: {  	s5 =	ssub.s32 $0x0, s20;
	[sflag:s22] =	ssyncset.done $0x0  }
0xa0: {  	[sflag:s22] =	ssyncadd.s32 s5;
	_ =	sdelay $0x1  }
0xa1: {  	s23 =	simm.s32 $0x1B8B  }
0xa2: {  	_ =	swait.ge [sflag:s23], $0x1  }
0xa3: {  	[sflag:s23] =	ssyncset.done $0x0  }
0xa4: {  	s25 =	simm.s32 $0x1B8E;
	s24 =	sld [smem:$0x3FFE];
	[sflag:s23] =	ssyncadd.s32 $0xFFFFFFFF  }
0xa5: {  	s26 =	simm.s32 $execute0_lowered;
	[smem:$0x3FD2] =	sst s25  }
0xa6: {  	s6 =	sshll.u32 s26, $0x1;
	_ =	strace $0x80000046;
	[dreg:$0x1] =	wrdreg $0xFFFFFFFF  }
0xa7: {  	s28 =	simm.s32 $_size_execute0_lowered;
	s4 =	sadd.s32 s4, s6;
	[dreg:$0x0] =	wrdreg $0x0  }
0xa8: {  	s6 =	sshll.u32 s28, $0x1;
	[dreg:$0x2] =	wrdreg s4  }
0xa9: {  	[dreg:$0x3] =	wrdreg s6  }
0xaa: {  	[dreg:$0x4] =	wrdreg $0xC0  }
0xab: {  	_ =	task [dreg:s8], $0x5FFFF  }
0xac: {  	[dreg:$0x1] =	wrdreg $0xFFFFFFFF  }
0xad: {  	[dreg:$0x0] =	wrdreg $0x60  }
0xae: {  	[dreg:$0x2] =	wrdreg s3  }
0xaf: {  	s2 =	sadd.s32 $0x800, s2;
	[dreg:$0x3] =	wrdreg s24  }
0xb0: {  	[dreg:$0x4] =	wrdreg s2  }
0xb1: {  	[dreg:$0x5] =	wrdreg $0x9  }
0xb2: {  	_ =	task.clear_ibuf [dreg:s8], $0x6FFFF;
	_ =	strace $0x90000046  }
0xb3: {  	s29 =	simm.s32 $0x9;
	_ =	strace $0x80000048  }
0xb4: {  	_ =	swait.ge [sflag:s29], $0x1  }
0xb5: {  	[sflag:s29] =	ssyncadd.s32 $0xFFFFFFFF  }
0xb6: {  	_ =	strace $0x90000048  }
0xb7: {  	_ =	sfence  }
0xb8: {  	s30 =	sld [smem:$0x0];
	_ =	sdelay $0x2  }
0xb9: {  	s31 =	sshll.u32 s1, $0xD;
	s1 =	sshrl.u32 s1, $0x2  }
0xba: {  	s3 =	sand.u32 $0x4000, s31;
	s1 =	sadd.s32 s1, s30  }
0xbb: {  	s0 =	sor.u32 s3, s0;
	s1 =	sshll.u32 s1, $0x11  }
0xbc: {  	s0 =	sor.u32 s1, s0  }
0xbd: {  	s0 =	sadd.s32 $0x8F2B, s0  }
0xbe: {  	[sflag:s0] =	ssyncadd.remote.s32 $0x1  }
0xbf: {  	_ =	sfence.sel $0xFFFF  }
0xc0: {  	[dreg:$0x0] =	wrdreg $0xFFFFFFFF;
	(pc) =	sbr.abs _section_cstart, $3  }
0xc1: {  	[dreg:$0x1] =	wrdreg $0xFFFFFFFF  }
0xc2: {  	_ =	task.clear_ibuf [dreg:s8], $0x2FFFF;
	_ =	strace $0x9FFFFFFF  }
0xc3: {  	(tm) =	ssettm $0x7FFFFFFF  }
tec
execute0_lowered:
.L_overlay_start_1:
0x0: {  	(tag) =	ssettag $0x1  }
0x1: {  	s3 =	rddreg [dreg:$0x0]  }
0x2: {  	s1 =	srdreg.scid;
	s7 =	rddreg [dreg:$0x1]  }
0x3: {  	s0 =	stileid.u32;
	s13 =	rddreg [dreg:$0x2]  }
0x4: {  	s12 =	simm.s32 $0x4;
	s16 =	simm.s32 $0x4080;
	s17 =	simm.s32 $0x0  }
0x5: {  	s6 =	sand.u32 $0x1, s1;
	s2 =	sshrl.u32 s0, $0x3;
	s14 =	sand.u32 $0x7, s0  }
0x6: {  	s11 =	sshll.u32 s0, $0x4;
	s1 =	sshll.u32 s6, $0x1;
	s5 =	sshll.u32 s14, $0xB  }
0x7: {  	s9 =	ssub.s32 $0x2, s6;
	s10 =	sshll.u32 s6, $0x8;
	p0 =	sne.s32 s14, $0x0  }
0x8: {  	s14 =	simm.s32 $0x4000;
	s8 =	sor.u32 s2, s1;
	s1 =	rddreg [dreg:$0x3]  }
0x9: {  	s2 =	simm.s32 $0x0;
	s31 =	sshrl.u32 s9, $0x1;
	s15 =	sor.u32 s11, s10  }
0xa: {  	s10 =	simm.s32 $0x2;
	s11 =	simm.s32 $0x3;
	s4 =	sshll.u32 s8, $0xF  }
.Ltmp0:
0xb: {  	[smem:$0x7FF] =	sst s2;
	s9 =	ssub.s32 s9, s31;
	(pc) =	sbr.rel .LBB2_1-.Ltmp0, $4  }
0xc: {  	s8 =	sshll.u32 s8, $0x4;
	s13 =	sadd.s32 s13, s15;
	s15 =	simm.s32 $0x5  }
0xd: {  	s4 =	sor.u32 s5, s4;
	_ =	strace $0x80000047;
	s7 =	sadd.s32 s7, s8  }
0xe: {  	s8 =	smax.u32 s9, $0x1;
	s9 =	simm.s32 $0x1;
	s3 =	sadd.s32 s3, s4  }
0xf: {  	vm0 =	vcmask $0x300;
	s4 =	sadd.s32 $0x200, s3;
	s5 =	sadd.s32 $0x400, s3;
	s6 =	sadd.s32 $0x600, s3  }
.LBB2_19:
0x10: {  	s17 =	sadd.s32 $0x1, s17  }
0x11: {  	p1 =	sne.s32 s17, s8  }
.Ltmp1:
0x12: {  	_ = 	snop;
	(pc) =	sbr.rel @!p1 .LBB2_20-.Ltmp1, $1  }
0x13: {  	_ =	sdelay $0x3  }
.LBB2_1:
0x14: {  	s18 =	simm.s32 $0x10  }
0x15: {  	s21 =	sadd.s32 $0x0, s3;
	s19 =	simm.s32 $0x200;
	s20 =	simm.s32 $0x0  }
.LBB2_2:
0x16: {  	[tilespmem:s20], [sflag:$0x1] =	stream.linear.gather [hbm4b:s21+s2], $0x80, $0x38;
	[tilespmem:$0x4480] =	vst v63  }
0x17: {  	s21 =	smov.u32 s18;
	s20 =	smov.u32 s19;
	p1 =	sne.s32 s18, $0x1F0  }
.Ltmp2:
0x18: {  	s18 =	sadd.s32 $0x10, s18;
	(pc) =	sbr.rel @p1 .LBB2_2-.Ltmp2, $2  }
0x19: {  	_ =	sdelay $0x2  }
0x1a: {  	s19 =	sadd.s32 $0x200, s19;
	s21 =	sadd.s32 s21, s3  }
0x1b: {  	[tilespmem:s20], [sflag:$0x1] =	stream.linear.gather [hbm4b:s21+s2], $0x80, $0x38;
	[tilespmem:$0x4480] =	vst v63  }
0x1c: {  	s18 =	simm.s32 $0x80  }
0x1d: {  	s19 =	simm.s32 $0x10;
	s21 =	sadd.s32 $0x0, s4;
	s20 =	simm.s32 $0x280  }
.LBB2_4:
0x1e: {  	[tilespmem:s18], [sflag:$0x2] =	stream.linear.gather [hbm4b:s21+s2], $0x80, $0x38;
	[tilespmem:$0x4480] =	vst v63  }
0x1f: {  	s21 =	smov.u32 s19;
	s18 =	smov.u32 s20;
	p1 =	sne.s32 s19, $0x1F0  }
.Ltmp3:
0x20: {  	s19 =	sadd.s32 $0x10, s19;
	(pc) =	sbr.rel @p1 .LBB2_4-.Ltmp3, $2  }
0x21: {  	_ =	sdelay $0x2  }
0x22: {  	s20 =	sadd.s32 $0x200, s20;
	s21 =	sadd.s32 s21, s4  }
0x23: {  	[tilespmem:s18], [sflag:$0x2] =	stream.linear.gather [hbm4b:s21+s2], $0x80, $0x38;
	[tilespmem:$0x4480] =	vst v63  }
0x24: {  	s18 =	simm.s32 $0x100  }
0x25: {  	s19 =	simm.s32 $0x10;
	s21 =	sadd.s32 $0x0, s5;
	s20 =	simm.s32 $0x300  }
.LBB2_6:
0x26: {  	[tilespmem:s18], [sflag:$0x3] =	stream.linear.gather [hbm4b:s21+s2], $0x80, $0x38;
	[tilespmem:$0x4480] =	vst v63  }
0x27: {  	s21 =	smov.u32 s19;
	s18 =	smov.u32 s20;
	p1 =	sne.s32 s19, $0x1F0  }
.Ltmp4:
0x28: {  	s19 =	sadd.s32 $0x10, s19;
	(pc) =	sbr.rel @p1 .LBB2_6-.Ltmp4, $2  }
0x29: {  	_ =	sdelay $0x2  }
0x2a: {  	s20 =	sadd.s32 $0x200, s20;
	s21 =	sadd.s32 s21, s5  }
0x2b: {  	[tilespmem:s18], [sflag:$0x3] =	stream.linear.gather [hbm4b:s21+s2], $0x80, $0x38;
	[tilespmem:$0x4480] =	vst v63  }
0x2c: {  	s18 =	simm.s32 $0x180  }
0x2d: {  	s19 =	simm.s32 $0x10;
	s21 =	sadd.s32 $0x0, s6;
	s20 =	simm.s32 $0x380  }
.LBB2_8:
0x2e: {  	[tilespmem:s18], [sflag:$0x4] =	stream.linear.gather [hbm4b:s21+s2], $0x80, $0x38;
	[tilespmem:$0x4480] =	vst v63  }
0x2f: {  	s21 =	smov.u32 s19;
	s18 =	smov.u32 s20;
	p1 =	sne.s32 s19, $0x1F0  }
.Ltmp5:
0x30: {  	s19 =	sadd.s32 $0x10, s19;
	(pc) =	sbr.rel @p1 .LBB2_8-.Ltmp5, $2  }
0x31: {  	_ =	sdelay $0x2  }
0x32: {  	s20 =	sadd.s32 $0x200, s20;
	s21 =	sadd.s32 s21, s6  }
0x33: {  	[tilespmem:s18], [sflag:$0x4] =	stream.linear.gather [hbm4b:s21+s2], $0x80, $0x38;
	[tilespmem:$0x4480] =	vst v63  }
0x34: {  	_ =	swait.ge [sflag:s9], $0x1000  }
0x35: {  	[sflag:s9] =	ssyncset.done $0x0  }
0x36: {  	s20 =	simm.s32 $0x0;
	[sflag:s9] =	ssyncadd.s32 $0xFFFFF000  }
0x37: {  	v0 =	vld [tilespmem:s20+$0x70]  }
0x38: {  	v2 =	vld [tilespmem:s20+$0x0]  }
0x39: {  	v4 =	vld [tilespmem:s20+$0x10]  }
0x3a: {  	v5 =	vld [tilespmem:s20+$0x20]  }
0x3b: {  	v8 =	vld [tilespmem:s20+$0x30]  }
0x3c: {  	v3 =	vimm.f32 $0.0e+00;
	v9 =	vimm.f32 $0.0e+00;
	v6 =	vld [tilespmem:s20+$0x40]  }
0x3d: {  	v10 =	vimm.f32 $0.0e+00;
	v7 =	vimm.f32 $0.0e+00;
	v11 =	vld [tilespmem:s20+$0x50];
	v1 =	vadd.f32 v0, v3  }
0x3e: {  	s18 =	simm.s32 $0x200;
	s19 =	simm.s32 $0x1000;
	v12 =	vld [tilespmem:s20+$0x60];
	v0 =	vadd.f32 v2, v3;
	v2 =	vadd.f32 v4, v3;
	v4 =	vimm.f32 $0.0e+00  }
.LBB2_10:
0x3f: {  	p1 =	sne.s32 s19, $0xF800;
	v13 =	vld [tilespmem:s18+$0x70];
	v3 =	vadd.f32 v5, v3  }
0x40: {  	v14 =	vld [tilespmem:s18+$0x0];
	v4 =	vadd.f32 v8, v4  }
0x41: {  	v15 =	vld [tilespmem:s18+$0x10];
	v9 =	vadd.f32 v6, v9  }
.Ltmp6:
0x42: {  	v5 =	vld [tilespmem:s18+$0x20];
	v10 =	vadd.f32 v11, v10;
	(pc) =	sbr.rel @p1 .LBB2_10-.Ltmp6, $4  }
0x43: {  	v8 =	vld [tilespmem:s18+$0x30];
	v7 =	vadd.f32 v12, v7  }
0x44: {  	v6 =	vld [tilespmem:s18+$0x40];
	v1 =	vadd.f32 v13, v1  }
0x45: {  	v0 =	vadd.f32 v14, v0;
	v11 =	vld [tilespmem:s18+$0x50]  }
0x46: {  	v2 =	vadd.f32 v15, v2;
	v12 =	vld [tilespmem:s18+$0x60];
	s18 =	sshra.s32 s19, $0x2;
	s19 =	sadd.s32 $0x800, s19  }
0x47: {  	v13 =	vld [tilespmem:s18+$0x70]  }
0x48: {  	v14 =	vld [tilespmem:s18+$0x0]  }
0x49: {  	v15 =	vld [tilespmem:s18+$0x10]  }
0x4a: {  	v16 =	vld [tilespmem:s18+$0x20]  }
0x4b: {  	v17 =	vld [tilespmem:s18+$0x30]  }
0x4c: {  	v18 =	vld [tilespmem:s18+$0x40]  }
0x4d: {  	v19 =	vld [tilespmem:s18+$0x50]  }
0x4e: {  	v20 =	vld [tilespmem:s18+$0x60];
	_ =	swait.ge [sflag:s10], $0x1000  }
0x4f: {  	[sflag:s10] =	ssyncset.done $0x0  }
0x50: {  	s20 =	simm.s32 $0x0;
	[sflag:s10] =	ssyncadd.s32 $0xFFFFF000  }
0x51: {  	v3 =	vadd.f32 v5, v3;
	v4 =	vadd.f32 v8, v4;
	v5 =	vld [tilespmem:s20+$0xF0]  }
0x52: {  	v6 =	vadd.f32 v6, v9;
	v10 =	vadd.f32 v11, v10;
	v21 =	vld [tilespmem:s20+$0x80]  }
0x53: {  	v7 =	vadd.f32 v12, v7;
	v12 =	vld [tilespmem:s20+$0x90];
	v11 =	vadd.f32 v13, v1  }
0x54: {  	v8 =	vld [tilespmem:s20+$0xA0];
	v13 =	vadd.f32 v14, v0;
	v14 =	vadd.f32 v15, v2  }
0x55: {  	v9 =	vld [tilespmem:s20+$0xB0];
	v0 =	vadd.f32 v16, v3;
	v1 =	vadd.f32 v17, v4  }
0x56: {  	v2 =	vadd.f32 v18, v6;
	v3 =	vadd.f32 v19, v10;
	v10 =	vld [tilespmem:s20+$0xC0]  }
0x57: {  	v4 =	vadd.f32 v20, v7;
	v5 =	vadd.f32 v5, v11;
	v11 =	vld [tilespmem:s20+$0xD0]  }
0x58: {  	s18 =	simm.s32 $0x200;
	s19 =	simm.s32 $0x1000;
	v6 =	vadd.f32 v21, v13;
	v7 =	vadd.f32 v12, v14;
	v12 =	vld [tilespmem:s20+$0xE0]  }
.LBB2_12:
0x59: {  	p1 =	sne.s32 s19, $0xF800;
	v13 =	vld [tilespmem:s18+$0xF0];
	v0 =	vadd.f32 v8, v0  }
0x5a: {  	v14 =	vld [tilespmem:s18+$0x80];
	v1 =	vadd.f32 v9, v1  }
0x5b: {  	v15 =	vld [tilespmem:s18+$0x90];
	v2 =	vadd.f32 v10, v2  }
.Ltmp7:
0x5c: {  	v8 =	vld [tilespmem:s18+$0xA0];
	v3 =	vadd.f32 v11, v3;
	(pc) =	sbr.rel @p1 .LBB2_12-.Ltmp7, $4  }
0x5d: {  	v9 =	vld [tilespmem:s18+$0xB0];
	v4 =	vadd.f32 v12, v4  }
0x5e: {  	v10 =	vld [tilespmem:s18+$0xC0];
	v5 =	vadd.f32 v13, v5  }
0x5f: {  	v6 =	vadd.f32 v14, v6;
	v11 =	vld [tilespmem:s18+$0xD0]  }
0x60: {  	v7 =	vadd.f32 v15, v7;
	v12 =	vld [tilespmem:s18+$0xE0];
	s18 =	sshra.s32 s19, $0x2;
	s19 =	sadd.s32 $0x800, s19  }
0x61: {  	v13 =	vld [tilespmem:s18+$0xF0]  }
0x62: {  	v14 =	vld [tilespmem:s18+$0x80]  }
0x63: {  	v15 =	vld [tilespmem:s18+$0x90]  }
0x64: {  	v16 =	vld [tilespmem:s18+$0xA0]  }
0x65: {  	v17 =	vld [tilespmem:s18+$0xB0]  }
0x66: {  	v18 =	vld [tilespmem:s18+$0xC0]  }
0x67: {  	v19 =	vld [tilespmem:s18+$0xD0]  }
0x68: {  	v20 =	vld [tilespmem:s18+$0xE0];
	_ =	swait.ge [sflag:s11], $0x1000  }
0x69: {  	[sflag:s11] =	ssyncset.done $0x0  }
0x6a: {  	s20 =	simm.s32 $0x0;
	[sflag:s11] =	ssyncadd.s32 $0xFFFFF000  }
0x6b: {  	v0 =	vadd.f32 v8, v0;
	v1 =	vadd.f32 v9, v1;
	v21 =	vld [tilespmem:s20+$0x170]  }
0x6c: {  	v2 =	vadd.f32 v10, v2;
	v3 =	vadd.f32 v11, v3;
	v22 =	vld [tilespmem:s20+$0x100]  }
0x6d: {  	v4 =	vadd.f32 v12, v4;
	v12 =	vld [tilespmem:s20+$0x110];
	v5 =	vadd.f32 v13, v5  }
0x6e: {  	v8 =	vld [tilespmem:s20+$0x120];
	v6 =	vadd.f32 v14, v6;
	v7 =	vadd.f32 v15, v7  }
0x6f: {  	v9 =	vld [tilespmem:s20+$0x130];
	v0 =	vadd.f32 v16, v0;
	v1 =	vadd.f32 v17, v1  }
0x70: {  	v10 =	vld [tilespmem:s20+$0x140];
	v2 =	vadd.f32 v18, v2;
	v3 =	vadd.f32 v19, v3  }
0x71: {  	v11 =	vld [tilespmem:s20+$0x150];
	v4 =	vadd.f32 v20, v4;
	v5 =	vadd.f32 v21, v5  }
0x72: {  	s18 =	simm.s32 $0x200;
	s19 =	simm.s32 $0x1000;
	v6 =	vadd.f32 v22, v6;
	v7 =	vadd.f32 v12, v7;
	v12 =	vld [tilespmem:s20+$0x160]  }
.LBB2_14:
0x73: {  	p1 =	sne.s32 s19, $0xF800;
	v13 =	vld [tilespmem:s18+$0x170];
	v0 =	vadd.f32 v8, v0  }
0x74: {  	v14 =	vld [tilespmem:s18+$0x100];
	v1 =	vadd.f32 v9, v1  }
0x75: {  	v15 =	vld [tilespmem:s18+$0x110];
	v2 =	vadd.f32 v10, v2  }
.Ltmp8:
0x76: {  	v8 =	vld [tilespmem:s18+$0x120];
	v3 =	vadd.f32 v11, v3;
	(pc) =	sbr.rel @p1 .LBB2_14-.Ltmp8, $4  }
0x77: {  	v9 =	vld [tilespmem:s18+$0x130];
	v4 =	vadd.f32 v12, v4  }
0x78: {  	v10 =	vld [tilespmem:s18+$0x140];
	v5 =	vadd.f32 v13, v5  }
0x79: {  	v6 =	vadd.f32 v14, v6;
	v11 =	vld [tilespmem:s18+$0x150]  }
0x7a: {  	v7 =	vadd.f32 v15, v7;
	v12 =	vld [tilespmem:s18+$0x160];
	s18 =	sshra.s32 s19, $0x2;
	s19 =	sadd.s32 $0x800, s19  }
0x7b: {  	v13 =	vld [tilespmem:s18+$0x170]  }
0x7c: {  	v14 =	vld [tilespmem:s18+$0x100]  }
0x7d: {  	v15 =	vld [tilespmem:s18+$0x110]  }
0x7e: {  	v16 =	vld [tilespmem:s18+$0x120]  }
0x7f: {  	v17 =	vld [tilespmem:s18+$0x130]  }
0x80: {  	v18 =	vld [tilespmem:s18+$0x140]  }
0x81: {  	v19 =	vld [tilespmem:s18+$0x150]  }
0x82: {  	v20 =	vld [tilespmem:s18+$0x160];
	_ =	swait.ge [sflag:s12], $0x1000  }
0x83: {  	[sflag:s12] =	ssyncset.done $0x0  }
0x84: {  	s20 =	simm.s32 $0x0;
	[sflag:s12] =	ssyncadd.s32 $0xFFFFF000  }
0x85: {  	v0 =	vadd.f32 v8, v0;
	v1 =	vadd.f32 v9, v1;
	v8 =	vld [tilespmem:s20+$0x1F0]  }
0x86: {  	v2 =	vadd.f32 v10, v2;
	v11 =	vadd.f32 v11, v3;
	v21 =	vld [tilespmem:s20+$0x180]  }
0x87: {  	v22 =	vld [tilespmem:s20+$0x190];
	v12 =	vadd.f32 v12, v4;
	v13 =	vadd.f32 v13, v5  }
0x88: {  	v10 =	vld [tilespmem:s20+$0x1A0];
	v14 =	vadd.f32 v14, v6;
	v15 =	vadd.f32 v15, v7  }
0x89: {  	v9 =	vld [tilespmem:s20+$0x1B0];
	v5 =	vadd.f32 v16, v0;
	v4 =	vadd.f32 v17, v1  }
0x8a: {  	v3 =	vadd.f32 v18, v2;
	v2 =	vadd.f32 v19, v11;
	v6 =	vld [tilespmem:s20+$0x1C0]  }
0x8b: {  	v7 =	vld [tilespmem:s20+$0x1D0];
	v1 =	vadd.f32 v20, v12;
	v0 =	vadd.f32 v8, v13  }
0x8c: {  	s18 =	simm.s32 $0x200;
	s19 =	simm.s32 $0x1000;
	v11 =	vadd.f32 v21, v14;
	v12 =	vadd.f32 v22, v15;
	v8 =	vld [tilespmem:s20+$0x1E0]  }
.LBB2_16:
0x8d: {  	p1 =	sne.s32 s19, $0xF800;
	v13 =	vld [tilespmem:s18+$0x1F0];
	v5 =	vadd.f32 v10, v5  }
0x8e: {  	v14 =	vld [tilespmem:s18+$0x180];
	v4 =	vadd.f32 v9, v4  }
0x8f: {  	v15 =	vld [tilespmem:s18+$0x190];
	v3 =	vadd.f32 v6, v3  }
.Ltmp9:
0x90: {  	v10 =	vld [tilespmem:s18+$0x1A0];
	v2 =	vadd.f32 v7, v2;
	(pc) =	sbr.rel @p1 .LBB2_16-.Ltmp9, $4  }
0x91: {  	v9 =	vld [tilespmem:s18+$0x1B0];
	v1 =	vadd.f32 v8, v1  }
0x92: {  	v6 =	vld [tilespmem:s18+$0x1C0];
	v0 =	vadd.f32 v13, v0  }
0x93: {  	v11 =	vadd.f32 v14, v11;
	v7 =	vld [tilespmem:s18+$0x1D0]  }
0x94: {  	v12 =	vadd.f32 v15, v12;
	v8 =	vld [tilespmem:s18+$0x1E0];
	s18 =	sshra.s32 s19, $0x2;
	s19 =	sadd.s32 $0x800, s19  }
0x95: {  	v13 =	vld [tilespmem:s18+$0x180]  }
0x96: {  	v14 =	vld [tilespmem:s18+$0x190];
	_ =	sdelay $0x1  }
0x97: {  	v15 =	vld [tilespmem:s18+$0x1A0];
	_ =	sdelay $0x1  }
0x98: {  	v5 =	vadd.f32 v10, v5;
	v59 =	vld [tilespmem:s18+$0x1B0]  }
0x99: {  	v11 =	vadd.f32 v13, v11;
	v12 =	vadd.f32 v14, v12  }
0x9a: {  	v60 =	vld [tilespmem:s18+$0x1C0];
	v4 =	vadd.f32 v9, v4  }
0x9b: {  	v5 =	vadd.f32 v15, v5;
	v11 =	vadd.f32 v12, v11  }
0x9c: {  	v61 =	vld [tilespmem:s18+$0x1D0];
	v3 =	vadd.f32 v6, v3  }
0x9d: {  	v4 =	vadd.f32 v59, v4;
	v5 =	vadd.f32 v5, v11  }
0x9e: {  	v62 =	vld [tilespmem:s18+$0x1E0];
	v2 =	vadd.f32 v7, v2  }
0x9f: {  	v3 =	vadd.f32 v60, v3;
	v4 =	vadd.f32 v4, v5  }
0xa0: {  	v63 =	vld [tilespmem:s18+$0x1F0];
	v1 =	vadd.f32 v8, v1  }
0xa1: {  	v2 =	vadd.f32 v61, v2;
	v3 =	vadd.f32 v3, v4;
	_ =	sdelay $0x1  }
0xa2: {  	v1 =	vadd.f32 v62, v1;
	v2 =	vadd.f32 v2, v3;
	_ =	sdelay $0x1  }
0xa3: {  	v0 =	vadd.f32 v63, v0;
	v1 =	vadd.f32 v1, v2;
	_ =	sdelay $0x1  }
0xa4: {  	v0 =	vadd.f32 v0, v1;
	_ =	sdelay $0x1  }
0xa5: {  	[tilespmem:$0x4000] =	vst v0  }
0xa6: {  	[hbm4b:s13+s2] =	stream.linear.scatter [tilespmem:s14], [sflag:$0x5], $0x80, $0x38;
	[tilespmem:$0x4480] =	vst v63  }
.Ltmp10:
0xa7: {  	_ =	swait.ge [sflag:s15], $0x80;
	(pc) =	sbr.rel @p0 .LBB2_19-.Ltmp10, $3  }
0xa8: {  	[sflag:s15] =	ssyncset.done $0x0  }
0xa9: {  	[sflag:s15] =	ssyncadd.s32 $0xFFFFFF80  }
0xaa: {  	[bflag:$0x0] =	sbarrier.arrive $0xFFFF;
	_ =	sdelay $0x1  }
0xab: {  	[tilespmem:s16], [sflag:$0x5] =	stream.linear.gather [hbm4b:s13+s2], $0x400, $0x38;
	[tilespmem:$0x4480] =	vst v63  }
0xac: {  	_ =	swait.ge [sflag:s15], $0x400  }
0xad: {  	[sflag:s15] =	ssyncset.done $0x0  }
0xae: {  	[sflag:s15] =	ssyncadd.s32 $0xFFFFFC00  }
0xaf: {  	v0 =	vld [tilespmem:$0x4080]  }
0xb0: {  	v1 =	vld [tilespmem:$0x4100];
	_ =	sdelay $0x1  }
0xb1: {  	v2 =	vld [tilespmem:$0x4180];
	_ =	sdelay $0x1  }
0xb2: {  	v3 =	vld [tilespmem:$0x4200]  }
0xb3: {  	v0 =	vadd.f32 v1, v0  }
0xb4: {  	v59 =	vld [tilespmem:$0x4280]  }
0xb5: {  	v0 =	vadd.f32 v2, v0  }
0xb6: {  	v60 =	vld [tilespmem:$0x4300]  }
0xb7: {  	v0 =	vadd.f32 v3, v0  }
0xb8: {  	v61 =	vld [tilespmem:$0x4380]  }
0xb9: {  	v0 =	vadd.f32 v59, v0  }
0xba: {  	v62 =	vld [tilespmem:$0x4400]  }
0xbb: {  	v0 =	vadd.f32 v60, v0;
	_ =	sdelay $0x1  }
0xbc: {  	v0 =	vadd.f32 v61, v0;
	_ =	sdelay $0x1  }
0xbd: {  	v0 =	vadd.f32 v62, v0;
	_ =	sdelay $0x1  }
0xbe: {  	(v2sf) =	vpush v0, $0x0  }
0xbf: {  	(v2sf) =	vpush v0, $0x1;
	_ =	sdelay $0x1  }
0xc0: {  	(v2sf) =	vpush v0, $0x2;
	_ =	sdelay $0x1  }
0xc1: {  	(v2sf) =	vpush v0, $0x3;
	_ =	sdelay $0x1  }
0xc2: {  	(v2sf) =	vpush v0, $0x4;
	_ =	sdelay $0x1  }
0xc3: {  	(v2sf) =	vpush v0, $0x5;
	_ =	sdelay $0x1  }
0xc4: {  	(v2sf) =	vpush v0, $0x6;
	_ =	sdelay $0x1  }
0xc5: {  	(v2sf) =	vpush v0, $0x7;
	_ =	sdelay $0x1  }
0xc6: {  	s18 =	spop (v2sf);
	(v2sf) =	vpush v0, $0x8  }
0xc7: {  	s19 =	spop (v2sf)  }
0xc8: {  	(v2sf) =	vpush v0, $0x9;
	s18 =	sadd.f32 s19, s18  }
0xc9: {  	s29 =	spop (v2sf)  }
0xca: {  	(v2sf) =	vpush v0, $0xA;
	s18 =	sadd.f32 s18, s29  }
0xcb: {  	s30 =	spop (v2sf)  }
0xcc: {  	(v2sf) =	vpush v0, $0xB;
	s18 =	sadd.f32 s18, s30  }
0xcd: {  	s31 =	spop (v2sf)  }
0xce: {  	(v2sf) =	vpush v0, $0xC;
	s18 =	sadd.f32 s18, s31  }
0xcf: {  	s20 =	spop (v2sf)  }
0xd0: {  	(v2sf) =	vpush v0, $0xD;
	s18 =	sadd.f32 s18, s20  }
0xd1: {  	s21 =	spop (v2sf)  }
0xd2: {  	(v2sf) =	vpush v0, $0xE;
	s18 =	sadd.f32 s18, s21  }
0xd3: {  	s22 =	spop (v2sf)  }
0xd4: {  	(v2sf) =	vpush v0, $0xF;
	s18 =	sadd.f32 s18, s22  }
0xd5: {  	s23 =	spop (v2sf)  }
0xd6: {  	s18 =	sadd.f32 s18, s23  }
0xd7: {  	s24 =	spop (v2sf)  }
0xd8: {  	s18 =	sadd.f32 s18, s24  }
0xd9: {  	s25 =	spop (v2sf)  }
0xda: {  	s18 =	sadd.f32 s18, s25  }
0xdb: {  	s26 =	spop (v2sf)  }
0xdc: {  	s18 =	sadd.f32 s18, s26  }
0xdd: {  	s28 =	spop (v2sf)  }
0xde: {  	s18 =	sadd.f32 s18, s28  }
0xdf: {  	s29 =	spop (v2sf)  }
0xe0: {  	s18 =	sadd.f32 s18, s29  }
0xe1: {  	s30 =	spop (v2sf)  }
0xe2: {  	s18 =	sadd.f32 s18, s30  }
0xe3: {  	s31 =	spop (v2sf)  }
0xe4: {  	s18 =	sadd.f32 s18, s31;
	_ =	sdelay $0x1  }
0xe5: {  	v63 =	vmov s18  }
0xe6: {  	v0 =	vnsel vm0, $0x0, v63  }
.Ltmp11:
0xe7: {  	[tilespmem:$0x4000] =	vst v0;
	(pc) =	sbr.rel .LBB2_19-.Ltmp11, $4  }
0xe8: {  	[hbm4b:s7+s2] =	stream.linear.scatter [tilespmem:s14], [sflag:$0x5], $0x80, $0x38;
	[tilespmem:$0x4480] =	vst v63  }
0xe9: {  	_ =	swait.ge [sflag:s15], $0x80  }
0xea: {  	[sflag:s15] =	ssyncset.done $0x0  }
0xeb: {  	[sflag:s15] =	ssyncadd.s32 $0xFFFFFF80  }
.LBB2_20:
0xec: {  	_ =	sfence.sel $0x180000  }
0xed: {  	[bflag:$0x0] =	sbarrier.arrive $0xFFFF  }
0xee: {  	p0 =	sne.s32 s0, $0x0;
	_ =	strace $0x90000047  }
0xef: {  	s0 =	sadd.s32 @!p0 $0x100000, s1;
	[bflag:$0x2] =	sbarrier.arrive $0xFFFF  }
0xf0: {  	[sflag:s0] =	ssyncadd.tile.s32 @!p0 $0x1;
	_ =	shalt  }
.Lfunc_end2:
_tile_overlayer_lowered:
.L_overlay_start_2:
0xf1: {  	(tag) =	ssettag $0x2  }
0xf2: {  	s0 =	rddreg [dreg:$0x0];
	s2 =	stileid.u32  }
0xf3: {  	s1 =	rddreg [dreg:$0x1];
	p0 =	sne.s32 s2, $0x0  }
0xf4: {  	s3 =	rddreg [dreg:$0x2];
	[bflag:$0x3] =	sbarrier.arrive $0xFFFF;
	s2 =	simm.s32 @!p0 $0x1C05  }
0xf5: {  	[timem:s3], [sflag:s2] =	dma.local @!p0 [hbm:s0], s1  }
0xf6: {  	s0 =	simm.s32 @!p0 $0x5  }
0xf7: {  	_ =	swait.ge @!p0 [sflag:s0], s1  }
0xf8: {  	s1 =	ssub.s32 @!p0 $0x0, s1;
	[sflag:s0] =	ssyncset.done @!p0 $0x0  }
0xf9: {  	[sflag:s0] =	ssyncadd.s32 @!p0 s1  }
0xfa: {  	[bflag:$0x3] =	sbarrier.arrive $0xFFFF  }
0xfb: {  	_ =	shalt  }

</sc_bundles>
